<compile_context>
chip_gen: v7x
topology: tpu7x:2x2x1
jax: 0.10.2.dev20260603
libtpu: 0.0.44.dev20260713+nightly
codegen_flags: <defaults>
</compile_context>

<pallas_src>
import functools

import jax
import jax.numpy as jnp
from jax import lax
from jax.experimental import pallas as pl
from jax.experimental.pallas import tpu as pltpu
from jax.experimental.pallas import tpu_sc as plsc

_BB = 32


def _dense_body(q_ref, lp_ref, eps_ref, idx_ref):
    q = q_ref[...]
    n = q.shape[-1]
    m = jnp.max(q, axis=-1, keepdims=True)
    ii = lax.broadcasted_iota(jnp.int32, q.shape, 1)
    idx = jnp.min(jnp.where(q == m, ii, jnp.int32(n)), axis=-1)
    s = jnp.sum(jnp.exp(q - m), axis=-1, keepdims=True)
    lse = m + jnp.log(s)
    lp_ref[...] = q - lse
    eps_ref[...] = jnp.broadcast_to(m, (_BB, 128))
    idx_ref[...] = jnp.broadcast_to(idx[:, None], (_BB, 128))


def _dense_call(q_mean):
    b, n = q_mean.shape
    return pl.pallas_call(
        _dense_body,
        grid=(b // _BB,),
        in_specs=[pl.BlockSpec((_BB, n), lambda i: (i, 0))],
        out_specs=[
            pl.BlockSpec((_BB, n), lambda i: (i, 0)),
            pl.BlockSpec((_BB, 128), lambda i: (i, 0)),
            pl.BlockSpec((_BB, 128), lambda i: (i, 0)),
        ],
        out_shape=[
            jax.ShapeDtypeStruct((b, n), jnp.float32),
            jax.ShapeDtypeStruct((b, 128), jnp.float32),
            jax.ShapeDtypeStruct((b, 128), jnp.int32),
        ],
    )(q_mean)


def _sc_gather_call(table_t, eps_bcast, ind_bcast):
    b = table_t.shape[0]
    a = table_t.shape[1]
    n_workers = 16
    rpw = b // n_workers
    mesh = plsc.VectorSubcoreMesh(
        core_axis_name="c", subcore_axis_name="s", num_cores=1)

    @functools.partial(
        pl.kernel,
        out_type=[
            jax.ShapeDtypeStruct((b, a), jnp.float32),
            jax.ShapeDtypeStruct((b,), jnp.float32),
        ],
        mesh=mesh,
        compiler_params=pltpu.CompilerParams(
            needs_layout_passes=False,
            disable_bounds_checks=True,
            disable_semaphore_checks=True,
            skip_device_barrier=True,
        ),
        scratch_types=[
            pltpu.VMEM((rpw, 128), jnp.int32),
            pltpu.VMEM((rpw, 128), jnp.float32),
            pltpu.VMEM((16,), jnp.float32),
            pltpu.VMEM((rpw, a, 128), jnp.float32),
            pltpu.VMEM((rpw, a), jnp.float32),
            pltpu.SemaphoreType.DMA,
        ],
    )
    def gather_kernel(table_hbm, eps_hbm, ind_hbm, out_hbm, out_eps_hbm,
                      iidx_t, eps_t, eps_v, rows_v, final_v, sem):
        wid = lax.axis_index("s") + lax.axis_index("c")

        @pl.when(wid < n_workers)
        def _():
            base = wid * rpw
            pltpu.sync_copy(ind_hbm.at[pl.ds(base, rpw)], iidx_t)
            pltpu.sync_copy(eps_hbm.at[pl.ds(base, rpw)], eps_t)
            row16 = lax.iota(jnp.int32, 16) & (rpw - 1)
            zero16 = jnp.zeros((16,), jnp.int32)
            iv = plsc.load_gather(iidx_t, [row16, zero16])
            cv = iv >> 7
            lv = iv & 127
            eps_v[...] = plsc.load_gather(eps_t, [row16, zero16])
            pltpu.sync_copy(eps_v.at[pl.ds(0, rpw)],
                            out_eps_hbm.at[pl.ds(base, rpw)])
            copies = []
            for r in range(rpw):
                cp = pltpu.make_async_copy(
                    table_hbm.at[base + r, :, pl.ds(cv[r] * 128, 128)],
                    rows_v.at[r], sem)
                cp.start()
                copies.append(cp)
            for cp in copies:
                cp.wait()
            lane_iota = lax.iota(jnp.int32, 16)
            for r in range(rpw):
                j = jnp.full((16,), lv[r], jnp.int32)
                sel = plsc.load_gather(
                    rows_v, [jnp.full((16,), r, jnp.int32), lane_iota, j])
                final_v[r, :] = sel
            pltpu.sync_copy(final_v, out_hbm.at[pl.ds(base, rpw)])

    return gather_kernel(table_t, eps_bcast, ind_bcast)


def kernel(q_mean, q_stddev, actions):
    del q_stddev
    log_probs, eps, ind = _dense_call(q_mean)
    actions_t = jnp.transpose(actions, (0, 2, 1))
    best_action, best_eps = _sc_gather_call(actions_t, eps, ind)
    return (log_probs, best_action, best_eps)

# --- scband reference (transcript-rebuilt; emitter-appended) ---
"""Pipeline reference for scband-categorical-critic-actor-15788299780650 (READ-ONLY COPY).

The authoritative reference and input builder live on the scoring server;
editing this copy changes nothing except your own understanding.
"""

import jax, jax.numpy as jnp
import numpy as np


def setup_inputs(seed: int = 0) -> dict:
    key = jax.random.key(seed)
    k1, k2, k3 = jax.random.split(key, 3)
    B, N, A = 128, 32768, 16
    q_mean = jax.random.normal(k1, (B, N), dtype=jnp.float32)
    q_stddev = jax.random.uniform(k2, (B, N), dtype=jnp.float32)
    actions = jax.random.normal(k3, (B, N, A), dtype=jnp.float32)
    return {"q_mean": q_mean, "q_stddev": q_stddev, "actions": actions}


def reference(q_mean, q_stddev, actions):
    # Defaults from the torch forward: step=None, exploit_temp=1, sample_q=False, actions_log_prob=0
    exploit_temp = 1.0
    # Utils.schedule(entropy_sched=1, step) -> constant 1 (scalar schedule)
    entropy_temp = 1.0
    actions_log_prob = 0.0
    # q = Q.rsample() if sample_q else Q.mean  -> Q.mean
    q = q_mean
    u = exploit_temp * q + (1.0 - exploit_temp) * q_stddev
    u_logits = u - jnp.max(u, axis=-1, keepdims=True)
    logits = u_logits / entropy_temp + actions_log_prob
    # Categorical(logits=...) normalized log-probs (what Psi stores internally)
    log_probs = logits - jax.nn.logsumexp(logits, axis=-1, keepdims=True)
    # best_eps, best_ind = torch.max(u, -1)
    best_eps = jnp.max(u, axis=-1)
    best_ind = jnp.argmax(u, axis=-1)
    # Utils.gather_indices(Q.action, best_ind.unsqueeze(-1), 1).squeeze(1)
    best_action = jnp.take_along_axis(actions, best_ind[:, None, None], axis=1)
    best_action = jnp.squeeze(best_action, axis=1)
    return (log_probs, best_action, best_eps)

if __name__ == "__main__":
    import jax
    _d = setup_inputs()
    print(jax.jit(kernel)(*tuple(_d.values())))

</pallas_src>

<mosaic_0001>
#map = affine_map<(d0, d1) -> (0, 0, 0)>
#map1 = affine_map<(d0, d1) -> (0, 0)>
#map2 = affine_map<(d0, d1) -> (0)>
module attributes {stable_mosaic.version = 14 : i64} {
  func.func @gather_kernel(%arg0: i32, %arg1: i32, %arg2: memref<128x16x32768xf32, #tpu.memory_space<hbm>>, %arg3: memref<128x128xf32, #tpu.memory_space<hbm>>, %arg4: memref<128x128xi32, #tpu.memory_space<hbm>>, %arg5: memref<128x16xf32, #tpu.memory_space<hbm>>, %arg6: memref<128xf32, #tpu.memory_space<hbm>>, %arg7: memref<8x128xi32, #tpu.memory_space<vmem>>, %arg8: memref<8x128xf32, #tpu.memory_space<vmem>>, %arg9: memref<16xf32, #tpu.memory_space<vmem>>, %arg10: memref<8x16x128xf32, #tpu.memory_space<vmem>>, %arg11: memref<8x16xf32, #tpu.memory_space<vmem>>, %arg12: memref<!tpu.dma_semaphore, #tpu.memory_space<semaphore_mem>>) attributes {dimension_semantics = [#tpu.dimension_semantics<core_parallel>, #tpu.dimension_semantics<subcore_parallel>], iteration_bounds = array<i64: 1, 16>, scalar_prefetch = 0 : i64, scratch_operands = 6 : i64, tpu.core_type = #tpu.core_type<sc_vector_subcore>, window_params = [{transform_indices = #map}, {transform_indices = #map1}, {transform_indices = #map1}, {transform_indices = #map1}, {transform_indices = #map2}]} {
    %add3A = arith.addi %arg1, %arg0 : i32
    %lt3A = arith.constant 16 : i32
    %lt3A_0 = arith.cmpi slt, %add3A, %lt3A : i32
    %convert_element_type3A = arith.extui %lt3A_0 : i1 to i32
    %cond3A = arith.constant 0 : i32
    %cond3A_1 = arith.cmpi ne, %convert_element_type3A, %cond3A : i32
    scf.if %cond3A_1 {
      %mul3A = arith.constant 8 : i32
      %mul3A_2 = arith.muli %add3A, %mul3A : i32
      "tpu.region"() ({
        %run_scoped3A = tpu.sem_alloc : memref<!tpu.dma_semaphore, #tpu.memory_space<semaphore_mem>>
        %dma_start3A_378 = arith.constant 0 : i32
        %dma_start3A_379 = tpu.memref_slice %arg4[%mul3A_2, %dma_start3A_378] : memref<128x128xi32, #tpu.memory_space<hbm>> -> memref<8x128xi32, #tpu.memory_space<hbm>>
        %dma_start3A_380 = arith.constant 0 : i32
        %dma_start3A_381 = tpu.memref_slice %arg4[%mul3A_2, %dma_start3A_380] : memref<128x128xi32, #tpu.memory_space<hbm>> -> memref<8x128xi32, #tpu.memory_space<hbm>>
        tpu.enqueue_dma source(%dma_start3A_381 : memref<8x128xi32, #tpu.memory_space<hbm>>) target(%arg7 : memref<8x128xi32, #tpu.memory_space<vmem>>) target_semaphore(%run_scoped3A : memref<!tpu.dma_semaphore, #tpu.memory_space<semaphore_mem>>)
        %dma_wait3A_382 = arith.constant 0 : i32
        %dma_wait3A_383 = tpu.memref_slice %arg4[%mul3A_2, %dma_wait3A_382] : memref<128x128xi32, #tpu.memory_space<hbm>> -> memref<8x128xi32, #tpu.memory_space<hbm>>
        %dma_wait3A_384 = arith.constant 0 : i32
        %dma_wait3A_385 = tpu.memref_slice %arg4[%mul3A_2, %dma_wait3A_384] : memref<128x128xi32, #tpu.memory_space<hbm>> -> memref<8x128xi32, #tpu.memory_space<hbm>>
        tpu.wait_dma2 semaphore(%run_scoped3A : memref<!tpu.dma_semaphore, #tpu.memory_space<semaphore_mem>>) src(%dma_wait3A_385 : memref<8x128xi32, #tpu.memory_space<hbm>>) dst(%arg7 : memref<8x128xi32, #tpu.memory_space<vmem>>)
        tpu.yield
      }) : () -> ()
      "tpu.region"() ({
        %run_scoped3A = tpu.sem_alloc : memref<!tpu.dma_semaphore, #tpu.memory_space<semaphore_mem>>
        %dma_start3A_378 = arith.constant 0 : i32
        %dma_start3A_379 = tpu.memref_slice %arg3[%mul3A_2, %dma_start3A_378] : memref<128x128xf32, #tpu.memory_space<hbm>> -> memref<8x128xf32, #tpu.memory_space<hbm>>
        %dma_start3A_380 = arith.constant 0 : i32
        %dma_start3A_381 = tpu.memref_slice %arg3[%mul3A_2, %dma_start3A_380] : memref<128x128xf32, #tpu.memory_space<hbm>> -> memref<8x128xf32, #tpu.memory_space<hbm>>
        tpu.enqueue_dma source(%dma_start3A_381 : memref<8x128xf32, #tpu.memory_space<hbm>>) target(%arg8 : memref<8x128xf32, #tpu.memory_space<vmem>>) target_semaphore(%run_scoped3A : memref<!tpu.dma_semaphore, #tpu.memory_space<semaphore_mem>>)
        %dma_wait3A_382 = arith.constant 0 : i32
        %dma_wait3A_383 = tpu.memref_slice %arg3[%mul3A_2, %dma_wait3A_382] : memref<128x128xf32, #tpu.memory_space<hbm>> -> memref<8x128xf32, #tpu.memory_space<hbm>>
        %dma_wait3A_384 = arith.constant 0 : i32
        %dma_wait3A_385 = tpu.memref_slice %arg3[%mul3A_2, %dma_wait3A_384] : memref<128x128xf32, #tpu.memory_space<hbm>> -> memref<8x128xf32, #tpu.memory_space<hbm>>
        tpu.wait_dma2 semaphore(%run_scoped3A : memref<!tpu.dma_semaphore, #tpu.memory_space<semaphore_mem>>) src(%dma_wait3A_385 : memref<8x128xf32, #tpu.memory_space<hbm>>) dst(%arg8 : memref<8x128xf32, #tpu.memory_space<vmem>>)
        tpu.yield
      }) : () -> ()
      %iota3A = tpu.iota {dimensions = array<i32: 0>} : vector<16xi32>
      %and3A = arith.constant 7 : i32
      %and3A_3 = vector.broadcast %and3A : i32 to vector<16xi32>
      %and3A_4 = arith.andi %iota3A, %and3A_3 : vector<16xi32>
      %broadcast_in_dim3A = arith.constant 0 : i32
      %broadcast_in_dim3A_5 = vector.broadcast %broadcast_in_dim3A : i32 to vector<16xi32>
      %gather3A = tpu.vector_load_idx %arg7[%and3A_4, %broadcast_in_dim3A_5] : memref<8x128xi32, #tpu.memory_space<vmem>>[vector<16xi32>, vector<16xi32>], vector<16xi32>,
      %shift_right_arithmetic3A = arith.constant 7 : i32
      %shift_right_arithmetic3A_6 = vector.broadcast %shift_right_arithmetic3A : i32 to vector<16xi32>
      %shift_right_arithmetic3A_7 = arith.shrsi %gather3A, %shift_right_arithmetic3A_6 : vector<16xi32>
      %and3A_8 = arith.constant 127 : i32
      %and3A_9 = vector.broadcast %and3A_8 : i32 to vector<16xi32>
      %and3A_10 = arith.andi %gather3A, %and3A_9 : vector<16xi32>
      %gather3A_11 = tpu.vector_load_idx %arg8[%and3A_4, %broadcast_in_dim3A_5] : memref<8x128xf32, #tpu.memory_space<vmem>>[vector<16xi32>, vector<16xi32>], vector<16xf32>,
      %swap3A = arith.constant 0 : index
      %swap3A_12 = tpu.vector_load %arg9[%swap3A] {strides = array<i32>} : memref<16xf32, #tpu.memory_space<vmem>>, vector<16xf32>,
      tpu.vector_store %arg9[%swap3A], %gather3A_11 {strides = array<i32>} : memref<16xf32, #tpu.memory_space<vmem>>, vector<16xf32>,
      "tpu.region"() ({
        %run_scoped3A = tpu.sem_alloc : memref<!tpu.dma_semaphore, #tpu.memory_space<semaphore_mem>>
        %dma_start3A_378 = arith.constant 0 : i32
        %dma_start3A_379 = tpu.memref_slice %arg9[%dma_start3A_378] : memref<16xf32, #tpu.memory_space<vmem>> -> memref<8xf32, #tpu.memory_space<vmem>>
        %dma_start3A_380 = tpu.memref_slice %arg6[%mul3A_2] : memref<128xf32, #tpu.memory_space<hbm>> -> memref<8xf32, #tpu.memory_space<hbm>>
        %dma_start3A_381 = tpu.memref_slice %arg6[%mul3A_2] : memref<128xf32, #tpu.memory_space<hbm>> -> memref<8xf32, #tpu.memory_space<hbm>>
        %dma_start3A_382 = arith.constant 0 : i32
        %dma_start3A_383 = tpu.memref_slice %arg9[%dma_start3A_382] : memref<16xf32, #tpu.memory_space<vmem>> -> memref<8xf32, #tpu.memory_space<vmem>>
        tpu.enqueue_dma source(%dma_start3A_383 : memref<8xf32, #tpu.memory_space<vmem>>) target(%dma_start3A_381 : memref<8xf32, #tpu.memory_space<hbm>>) target_semaphore(%run_scoped3A : memref<!tpu.dma_semaphore, #tpu.memory_space<semaphore_mem>>)
        %dma_wait3A_384 = arith.constant 0 : i32
        %dma_wait3A_385 = tpu.memref_slice %arg9[%dma_wait3A_384] : memref<16xf32, #tpu.memory_space<vmem>> -> memref<8xf32, #tpu.memory_space<vmem>>
        %dma_wait3A_386 = tpu.memref_slice %arg6[%mul3A_2] : memref<128xf32, #tpu.memory_space<hbm>> -> memref<8xf32, #tpu.memory_space<hbm>>
        %dma_wait3A_387 = tpu.memref_slice %arg6[%mul3A_2] : memref<128xf32, #tpu.memory_space<hbm>> -> memref<8xf32, #tpu.memory_space<hbm>>
        %dma_wait3A_388 = arith.constant 0 : i32
        %dma_wait3A_389 = tpu.memref_slice %arg9[%dma_wait3A_388] : memref<16xf32, #tpu.memory_space<vmem>> -> memref<8xf32, #tpu.memory_space<vmem>>
        tpu.wait_dma2 semaphore(%run_scoped3A : memref<!tpu.dma_semaphore, #tpu.memory_space<semaphore_mem>>) src(%dma_wait3A_389 : memref<8xf32, #tpu.memory_space<vmem>>) dst(%dma_wait3A_387 : memref<8xf32, #tpu.memory_space<hbm>>)
        tpu.yield
      }) : () -> ()
      %add3A_13 = arith.constant 0 : i32
      %add3A_14 = arith.addi %mul3A_2, %add3A_13 : i32
      %slice3A = vector.extract_strided_slice %shift_right_arithmetic3A_7 {offsets = [0], sizes = [1], strides = [1]} : vector<16xi32> to vector<1xi32>
      %squeeze3A = vector.extract %slice3A[0] : i32 from vector<1xi32>
      %mul3A_15 = arith.constant 128 : i32
      %mul3A_16 = arith.muli %squeeze3A, %mul3A_15 : i32
      %dma_start3A = arith.constant 0 : i32
      %dma_start3A_17 = arith.constant 0 : i32
      %dma_start3A_18 = arith.constant 0 : i32
      %dma_start3A_19 = tpu.memref_slice %arg10[%dma_start3A, %dma_start3A_17, %dma_start3A_18] : memref<8x16x128xf32, #tpu.memory_space<vmem>> -> memref<1x16x128xf32, #tpu.memory_space<vmem>>
      %dma_start3A_20 = tpu.memref_squeeze %dma_start3A_19 : memref<1x16x128xf32, #tpu.memory_space<vmem>> -> memref<16x128xf32, #tpu.memory_space<vmem>>
      %dma_start3A_21 = arith.constant 0 : i32
      %dma_start3A_22 = tpu.memref_slice %arg2[%add3A_14, %dma_start3A_21, %mul3A_16] : memref<128x16x32768xf32, #tpu.memory_space<hbm>> -> memref<1x16x128xf32, #tpu.memory_space<hbm>>
      %dma_start3A_23 = tpu.memref_squeeze %dma_start3A_22 : memref<1x16x128xf32, #tpu.memory_space<hbm>> -> memref<16x128xf32, #tpu.memory_space<hbm>>
      %dma_start3A_24 = arith.constant 0 : i32
      %dma_start3A_25 = arith.constant 0 : i32
      %dma_start3A_26 = tpu.memref_slice %arg10[%dma_start3A, %dma_start3A_24, %dma_start3A_25] : memref<8x16x128xf32, #tpu.memory_space<vmem>> -> memref<1x16x128xf32, #tpu.memory_space<vmem>>
      %dma_start3A_27 = tpu.memref_squeeze %dma_start3A_26 : memref<1x16x128xf32, #tpu.memory_space<vmem>> -> memref<16x128xf32, #tpu.memory_space<vmem>>
      %dma_start3A_28 = arith.constant 0 : i32
      %dma_start3A_29 = tpu.memref_slice %arg2[%add3A_14, %dma_start3A_28, %mul3A_16] : memref<128x16x32768xf32, #tpu.memory_space<hbm>> -> memref<1x16x128xf32, #tpu.memory_space<hbm>>
      %dma_start3A_30 = tpu.memref_squeeze %dma_start3A_29 : memref<1x16x128xf32, #tpu.memory_space<hbm>> -> memref<16x128xf32, #tpu.memory_space<hbm>>
      tpu.enqueue_dma source(%dma_start3A_30 : memref<16x128xf32, #tpu.memory_space<hbm>>) target(%dma_start3A_27 : memref<16x128xf32, #tpu.memory_space<vmem>>) target_semaphore(%arg12 : memref<!tpu.dma_semaphore, #tpu.memory_space<semaphore_mem>>)
      %add3A_31 = arith.constant 1 : i32
      %add3A_32 = arith.addi %mul3A_2, %add3A_31 : i32
      %slice3A_33 = vector.extract_strided_slice %shift_right_arithmetic3A_7 {offsets = [1], sizes = [1], strides = [1]} : vector<16xi32> to vector<1xi32>
      %squeeze3A_34 = vector.extract %slice3A_33[0] : i32 from vector<1xi32>
      %mul3A_35 = arith.constant 128 : i32
      %mul3A_36 = arith.muli %squeeze3A_34, %mul3A_35 : i32
      %dma_start3A_37 = arith.constant 1 : i32
      %dma_start3A_38 = arith.constant 0 : i32
      %dma_start3A_39 = arith.constant 0 : i32
      %dma_start3A_40 = tpu.memref_slice %arg10[%dma_start3A_37, %dma_start3A_38, %dma_start3A_39] : memref<8x16x128xf32, #tpu.memory_space<vmem>> -> memref<1x16x128xf32, #tpu.memory_space<vmem>>
      %dma_start3A_41 = tpu.memref_squeeze %dma_start3A_40 : memref<1x16x128xf32, #tpu.memory_space<vmem>> -> memref<16x128xf32, #tpu.memory_space<vmem>>
      %dma_start3A_42 = arith.constant 0 : i32
      %dma_start3A_43 = tpu.memref_slice %arg2[%add3A_32, %dma_start3A_42, %mul3A_36] : memref<128x16x32768xf32, #tpu.memory_space<hbm>> -> memref<1x16x128xf32, #tpu.memory_space<hbm>>
      %dma_start3A_44 = tpu.memref_squeeze %dma_start3A_43 : memref<1x16x128xf32, #tpu.memory_space<hbm>> -> memref<16x128xf32, #tpu.memory_space<hbm>>
      %dma_start3A_45 = arith.constant 0 : i32
      %dma_start3A_46 = arith.constant 0 : i32
      %dma_start3A_47 = tpu.memref_slice %arg10[%dma_start3A_37, %dma_start3A_45, %dma_start3A_46] : memref<8x16x128xf32, #tpu.memory_space<vmem>> -> memref<1x16x128xf32, #tpu.memory_space<vmem>>
      %dma_start3A_48 = tpu.memref_squeeze %dma_start3A_47 : memref<1x16x128xf32, #tpu.memory_space<vmem>> -> memref<16x128xf32, #tpu.memory_space<vmem>>
      %dma_start3A_49 = arith.constant 0 : i32
      %dma_start3A_50 = tpu.memref_slice %arg2[%add3A_32, %dma_start3A_49, %mul3A_36] : memref<128x16x32768xf32, #tpu.memory_space<hbm>> -> memref<1x16x128xf32, #tpu.memory_space<hbm>>
      %dma_start3A_51 = tpu.memref_squeeze %dma_start3A_50 : memref<1x16x128xf32, #tpu.memory_space<hbm>> -> memref<16x128xf32, #tpu.memory_space<hbm>>
      tpu.enqueue_dma source(%dma_start3A_51 : memref<16x128xf32, #tpu.memory_space<hbm>>) target(%dma_start3A_48 : memref<16x128xf32, #tpu.memory_space<vmem>>) target_semaphore(%arg12 : memref<!tpu.dma_semaphore, #tpu.memory_space<semaphore_mem>>)
      %add3A_52 = arith.constant 2 : i32
      %add3A_53 = arith.addi %mul3A_2, %add3A_52 : i32
      %slice3A_54 = vector.extract_strided_slice %shift_right_arithmetic3A_7 {offsets = [2], sizes = [1], strides = [1]} : vector<16xi32> to vector<1xi32>
      %squeeze3A_55 = vector.extract %slice3A_54[0] : i32 from vector<1xi32>
      %mul3A_56 = arith.constant 128 : i32
      %mul3A_57 = arith.muli %squeeze3A_55, %mul3A_56 : i32
      %dma_start3A_58 = arith.constant 2 : i32
      %dma_start3A_59 = arith.constant 0 : i32
      %dma_start3A_60 = arith.constant 0 : i32
      %dma_start3A_61 = tpu.memref_slice %arg10[%dma_start3A_58, %dma_start3A_59, %dma_start3A_60] : memref<8x16x128xf32, #tpu.memory_space<vmem>> -> memref<1x16x128xf32, #tpu.memory_space<vmem>>
      %dma_start3A_62 = tpu.memref_squeeze %dma_start3A_61 : memref<1x16x128xf32, #tpu.memory_space<vmem>> -> memref<16x128xf32, #tpu.memory_space<vmem>>
      %dma_start3A_63 = arith.constant 0 : i32
      %dma_start3A_64 = tpu.memref_slice %arg2[%add3A_53, %dma_start3A_63, %mul3A_57] : memref<128x16x32768xf32, #tpu.memory_space<hbm>> -> memref<1x16x128xf32, #tpu.memory_space<hbm>>
      %dma_start3A_65 = tpu.memref_squeeze %dma_start3A_64 : memref<1x16x128xf32, #tpu.memory_space<hbm>> -> memref<16x128xf32, #tpu.memory_space<hbm>>
      %dma_start3A_66 = arith.constant 0 : i32
      %dma_start3A_67 = arith.constant 0 : i32
      %dma_start3A_68 = tpu.memref_slice %arg10[%dma_start3A_58, %dma_start3A_66, %dma_start3A_67] : memref<8x16x128xf32, #tpu.memory_space<vmem>> -> memref<1x16x128xf32, #tpu.memory_space<vmem>>
      %dma_start3A_69 = tpu.memref_squeeze %dma_start3A_68 : memref<1x16x128xf32, #tpu.memory_space<vmem>> -> memref<16x128xf32, #tpu.memory_space<vmem>>
      %dma_start3A_70 = arith.constant 0 : i32
      %dma_start3A_71 = tpu.memref_slice %arg2[%add3A_53, %dma_start3A_70, %mul3A_57] : memref<128x16x32768xf32, #tpu.memory_space<hbm>> -> memref<1x16x128xf32, #tpu.memory_space<hbm>>
      %dma_start3A_72 = tpu.memref_squeeze %dma_start3A_71 : memref<1x16x128xf32, #tpu.memory_space<hbm>> -> memref<16x128xf32, #tpu.memory_space<hbm>>
      tpu.enqueue_dma source(%dma_start3A_72 : memref<16x128xf32, #tpu.memory_space<hbm>>) target(%dma_start3A_69 : memref<16x128xf32, #tpu.memory_space<vmem>>) target_semaphore(%arg12 : memref<!tpu.dma_semaphore, #tpu.memory_space<semaphore_mem>>)
      %add3A_73 = arith.constant 3 : i32
      %add3A_74 = arith.addi %mul3A_2, %add3A_73 : i32
      %slice3A_75 = vector.extract_strided_slice %shift_right_arithmetic3A_7 {offsets = [3], sizes = [1], strides = [1]} : vector<16xi32> to vector<1xi32>
      %squeeze3A_76 = vector.extract %slice3A_75[0] : i32 from vector<1xi32>
      %mul3A_77 = arith.constant 128 : i32
      %mul3A_78 = arith.muli %squeeze3A_76, %mul3A_77 : i32
      %dma_start3A_79 = arith.constant 3 : i32
      %dma_start3A_80 = arith.constant 0 : i32
      %dma_start3A_81 = arith.constant 0 : i32
      %dma_start3A_82 = tpu.memref_slice %arg10[%dma_start3A_79, %dma_start3A_80, %dma_start3A_81] : memref<8x16x128xf32, #tpu.memory_space<vmem>> -> memref<1x16x128xf32, #tpu.memory_space<vmem>>
      %dma_start3A_83 = tpu.memref_squeeze %dma_start3A_82 : memref<1x16x128xf32, #tpu.memory_space<vmem>> -> memref<16x128xf32, #tpu.memory_space<vmem>>
      %dma_start3A_84 = arith.constant 0 : i32
      %dma_start3A_85 = tpu.memref_slice %arg2[%add3A_74, %dma_start3A_84, %mul3A_78] : memref<128x16x32768xf32, #tpu.memory_space<hbm>> -> memref<1x16x128xf32, #tpu.memory_space<hbm>>
      %dma_start3A_86 = tpu.memref_squeeze %dma_start3A_85 : memref<1x16x128xf32, #tpu.memory_space<hbm>> -> memref<16x128xf32, #tpu.memory_space<hbm>>
      %dma_start3A_87 = arith.constant 0 : i32
      %dma_start3A_88 = arith.constant 0 : i32
      %dma_start3A_89 = tpu.memref_slice %arg10[%dma_start3A_79, %dma_start3A_87, %dma_start3A_88] : memref<8x16x128xf32, #tpu.memory_space<vmem>> -> memref<1x16x128xf32, #tpu.memory_space<vmem>>
      %dma_start3A_90 = tpu.memref_squeeze %dma_start3A_89 : memref<1x16x128xf32, #tpu.memory_space<vmem>> -> memref<16x128xf32, #tpu.memory_space<vmem>>
      %dma_start3A_91 = arith.constant 0 : i32
      %dma_start3A_92 = tpu.memref_slice %arg2[%add3A_74, %dma_start3A_91, %mul3A_78] : memref<128x16x32768xf32, #tpu.memory_space<hbm>> -> memref<1x16x128xf32, #tpu.memory_space<hbm>>
      %dma_start3A_93 = tpu.memref_squeeze %dma_start3A_92 : memref<1x16x128xf32, #tpu.memory_space<hbm>> -> memref<16x128xf32, #tpu.memory_space<hbm>>
      tpu.enqueue_dma source(%dma_start3A_93 : memref<16x128xf32, #tpu.memory_space<hbm>>) target(%dma_start3A_90 : memref<16x128xf32, #tpu.memory_space<vmem>>) target_semaphore(%arg12 : memref<!tpu.dma_semaphore, #tpu.memory_space<semaphore_mem>>)
      %add3A_94 = arith.constant 4 : i32
      %add3A_95 = arith.addi %mul3A_2, %add3A_94 : i32
      %slice3A_96 = vector.extract_strided_slice %shift_right_arithmetic3A_7 {offsets = [4], sizes = [1], strides = [1]} : vector<16xi32> to vector<1xi32>
      %squeeze3A_97 = vector.extract %slice3A_96[0] : i32 from vector<1xi32>
      %mul3A_98 = arith.constant 128 : i32
      %mul3A_99 = arith.muli %squeeze3A_97, %mul3A_98 : i32
      %dma_start3A_100 = arith.constant 4 : i32
      %dma_start3A_101 = arith.constant 0 : i32
      %dma_start3A_102 = arith.constant 0 : i32
      %dma_start3A_103 = tpu.memref_slice %arg10[%dma_start3A_100, %dma_start3A_101, %dma_start3A_102] : memref<8x16x128xf32, #tpu.memory_space<vmem>> -> memref<1x16x128xf32, #tpu.memory_space<vmem>>
      %dma_start3A_104 = tpu.memref_squeeze %dma_start3A_103 : memref<1x16x128xf32, #tpu.memory_space<vmem>> -> memref<16x128xf32, #tpu.memory_space<vmem>>
      %dma_start3A_105 = arith.constant 0 : i32
      %dma_start3A_106 = tpu.memref_slice %arg2[%add3A_95, %dma_start3A_105, %mul3A_99] : memref<128x16x32768xf32, #tpu.memory_space<hbm>> -> memref<1x16x128xf32, #tpu.memory_space<hbm>>
      %dma_start3A_107 = tpu.memref_squeeze %dma_start3A_106 : memref<1x16x128xf32, #tpu.memory_space<hbm>> -> memref<16x128xf32, #tpu.memory_space<hbm>>
      %dma_start3A_108 = arith.constant 0 : i32
      %dma_start3A_109 = arith.constant 0 : i32
      %dma_start3A_110 = tpu.memref_slice %arg10[%dma_start3A_100, %dma_start3A_108, %dma_start3A_109] : memref<8x16x128xf32, #tpu.memory_space<vmem>> -> memref<1x16x128xf32, #tpu.memory_space<vmem>>
      %dma_start3A_111 = tpu.memref_squeeze %dma_start3A_110 : memref<1x16x128xf32, #tpu.memory_space<vmem>> -> memref<16x128xf32, #tpu.memory_space<vmem>>
      %dma_start3A_112 = arith.constant 0 : i32
      %dma_start3A_113 = tpu.memref_slice %arg2[%add3A_95, %dma_start3A_112, %mul3A_99] : memref<128x16x32768xf32, #tpu.memory_space<hbm>> -> memref<1x16x128xf32, #tpu.memory_space<hbm>>
      %dma_start3A_114 = tpu.memref_squeeze %dma_start3A_113 : memref<1x16x128xf32, #tpu.memory_space<hbm>> -> memref<16x128xf32, #tpu.memory_space<hbm>>
      tpu.enqueue_dma source(%dma_start3A_114 : memref<16x128xf32, #tpu.memory_space<hbm>>) target(%dma_start3A_111 : memref<16x128xf32, #tpu.memory_space<vmem>>) target_semaphore(%arg12 : memref<!tpu.dma_semaphore, #tpu.memory_space<semaphore_mem>>)
      %add3A_115 = arith.constant 5 : i32
      %add3A_116 = arith.addi %mul3A_2, %add3A_115 : i32
      %slice3A_117 = vector.extract_strided_slice %shift_right_arithmetic3A_7 {offsets = [5], sizes = [1], strides = [1]} : vector<16xi32> to vector<1xi32>
      %squeeze3A_118 = vector.extract %slice3A_117[0] : i32 from vector<1xi32>
      %mul3A_119 = arith.constant 128 : i32
      %mul3A_120 = arith.muli %squeeze3A_118, %mul3A_119 : i32
      %dma_start3A_121 = arith.constant 5 : i32
      %dma_start3A_122 = arith.constant 0 : i32
      %dma_start3A_123 = arith.constant 0 : i32
      %dma_start3A_124 = tpu.memref_slice %arg10[%dma_start3A_121, %dma_start3A_122, %dma_start3A_123] : memref<8x16x128xf32, #tpu.memory_space<vmem>> -> memref<1x16x128xf32, #tpu.memory_space<vmem>>
      %dma_start3A_125 = tpu.memref_squeeze %dma_start3A_124 : memref<1x16x128xf32, #tpu.memory_space<vmem>> -> memref<16x128xf32, #tpu.memory_space<vmem>>
      %dma_start3A_126 = arith.constant 0 : i32
      %dma_start3A_127 = tpu.memref_slice %arg2[%add3A_116, %dma_start3A_126, %mul3A_120] : memref<128x16x32768xf32, #tpu.memory_space<hbm>> -> memref<1x16x128xf32, #tpu.memory_space<hbm>>
      %dma_start3A_128 = tpu.memref_squeeze %dma_start3A_127 : memref<1x16x128xf32, #tpu.memory_space<hbm>> -> memref<16x128xf32, #tpu.memory_space<hbm>>
      %dma_start3A_129 = arith.constant 0 : i32
      %dma_start3A_130 = arith.constant 0 : i32
      %dma_start3A_131 = tpu.memref_slice %arg10[%dma_start3A_121, %dma_start3A_129, %dma_start3A_130] : memref<8x16x128xf32, #tpu.memory_space<vmem>> -> memref<1x16x128xf32, #tpu.memory_space<vmem>>
      %dma_start3A_132 = tpu.memref_squeeze %dma_start3A_131 : memref<1x16x128xf32, #tpu.memory_space<vmem>> -> memref<16x128xf32, #tpu.memory_space<vmem>>
      %dma_start3A_133 = arith.constant 0 : i32
      %dma_start3A_134 = tpu.memref_slice %arg2[%add3A_116, %dma_start3A_133, %mul3A_120] : memref<128x16x32768xf32, #tpu.memory_space<hbm>> -> memref<1x16x128xf32, #tpu.memory_space<hbm>>
      %dma_start3A_135 = tpu.memref_squeeze %dma_start3A_134 : memref<1x16x128xf32, #tpu.memory_space<hbm>> -> memref<16x128xf32, #tpu.memory_space<hbm>>
      tpu.enqueue_dma source(%dma_start3A_135 : memref<16x128xf32, #tpu.memory_space<hbm>>) target(%dma_start3A_132 : memref<16x128xf32, #tpu.memory_space<vmem>>) target_semaphore(%arg12 : memref<!tpu.dma_semaphore, #tpu.memory_space<semaphore_mem>>)
      %add3A_136 = arith.constant 6 : i32
      %add3A_137 = arith.addi %mul3A_2, %add3A_136 : i32
      %slice3A_138 = vector.extract_strided_slice %shift_right_arithmetic3A_7 {offsets = [6], sizes = [1], strides = [1]} : vector<16xi32> to vector<1xi32>
      %squeeze3A_139 = vector.extract %slice3A_138[0] : i32 from vector<1xi32>
      %mul3A_140 = arith.constant 128 : i32
      %mul3A_141 = arith.muli %squeeze3A_139, %mul3A_140 : i32
      %dma_start3A_142 = arith.constant 6 : i32
      %dma_start3A_143 = arith.constant 0 : i32
      %dma_start3A_144 = arith.constant 0 : i32
      %dma_start3A_145 = tpu.memref_slice %arg10[%dma_start3A_142, %dma_start3A_143, %dma_start3A_144] : memref<8x16x128xf32, #tpu.memory_space<vmem>> -> memref<1x16x128xf32, #tpu.memory_space<vmem>>
      %dma_start3A_146 = tpu.memref_squeeze %dma_start3A_145 : memref<1x16x128xf32, #tpu.memory_space<vmem>> -> memref<16x128xf32, #tpu.memory_space<vmem>>
      %dma_start3A_147 = arith.constant 0 : i32
      %dma_start3A_148 = tpu.memref_slice %arg2[%add3A_137, %dma_start3A_147, %mul3A_141] : memref<128x16x32768xf32, #tpu.memory_space<hbm>> -> memref<1x16x128xf32, #tpu.memory_space<hbm>>
      %dma_start3A_149 = tpu.memref_squeeze %dma_start3A_148 : memref<1x16x128xf32, #tpu.memory_space<hbm>> -> memref<16x128xf32, #tpu.memory_space<hbm>>
      %dma_start3A_150 = arith.constant 0 : i32
      %dma_start3A_151 = arith.constant 0 : i32
      %dma_start3A_152 = tpu.memref_slice %arg10[%dma_start3A_142, %dma_start3A_150, %dma_start3A_151] : memref<8x16x128xf32, #tpu.memory_space<vmem>> -> memref<1x16x128xf32, #tpu.memory_space<vmem>>
      %dma_start3A_153 = tpu.memref_squeeze %dma_start3A_152 : memref<1x16x128xf32, #tpu.memory_space<vmem>> -> memref<16x128xf32, #tpu.memory_space<vmem>>
      %dma_start3A_154 = arith.constant 0 : i32
      %dma_start3A_155 = tpu.memref_slice %arg2[%add3A_137, %dma_start3A_154, %mul3A_141] : memref<128x16x32768xf32, #tpu.memory_space<hbm>> -> memref<1x16x128xf32, #tpu.memory_space<hbm>>
      %dma_start3A_156 = tpu.memref_squeeze %dma_start3A_155 : memref<1x16x128xf32, #tpu.memory_space<hbm>> -> memref<16x128xf32, #tpu.memory_space<hbm>>
      tpu.enqueue_dma source(%dma_start3A_156 : memref<16x128xf32, #tpu.memory_space<hbm>>) target(%dma_start3A_153 : memref<16x128xf32, #tpu.memory_space<vmem>>) target_semaphore(%arg12 : memref<!tpu.dma_semaphore, #tpu.memory_space<semaphore_mem>>)
      %add3A_157 = arith.constant 7 : i32
      %add3A_158 = arith.addi %mul3A_2, %add3A_157 : i32
      %slice3A_159 = vector.extract_strided_slice %shift_right_arithmetic3A_7 {offsets = [7], sizes = [1], strides = [1]} : vector<16xi32> to vector<1xi32>
      %squeeze3A_160 = vector.extract %slice3A_159[0] : i32 from vector<1xi32>
      %mul3A_161 = arith.constant 128 : i32
      %mul3A_162 = arith.muli %squeeze3A_160, %mul3A_161 : i32
      %dma_start3A_163 = arith.constant 7 : i32
      %dma_start3A_164 = arith.constant 0 : i32
      %dma_start3A_165 = arith.constant 0 : i32
      %dma_start3A_166 = tpu.memref_slice %arg10[%dma_start3A_163, %dma_start3A_164, %dma_start3A_165] : memref<8x16x128xf32, #tpu.memory_space<vmem>> -> memref<1x16x128xf32, #tpu.memory_space<vmem>>
      %dma_start3A_167 = tpu.memref_squeeze %dma_start3A_166 : memref<1x16x128xf32, #tpu.memory_space<vmem>> -> memref<16x128xf32, #tpu.memory_space<vmem>>
      %dma_start3A_168 = arith.constant 0 : i32
      %dma_start3A_169 = tpu.memref_slice %arg2[%add3A_158, %dma_start3A_168, %mul3A_162] : memref<128x16x32768xf32, #tpu.memory_space<hbm>> -> memref<1x16x128xf32, #tpu.memory_space<hbm>>
      %dma_start3A_170 = tpu.memref_squeeze %dma_start3A_169 : memref<1x16x128xf32, #tpu.memory_space<hbm>> -> memref<16x128xf32, #tpu.memory_space<hbm>>
      %dma_start3A_171 = arith.constant 0 : i32
      %dma_start3A_172 = arith.constant 0 : i32
      %dma_start3A_173 = tpu.memref_slice %arg10[%dma_start3A_163, %dma_start3A_171, %dma_start3A_172] : memref<8x16x128xf32, #tpu.memory_space<vmem>> -> memref<1x16x128xf32, #tpu.memory_space<vmem>>
      %dma_start3A_174 = tpu.memref_squeeze %dma_start3A_173 : memref<1x16x128xf32, #tpu.memory_space<vmem>> -> memref<16x128xf32, #tpu.memory_space<vmem>>
      %dma_start3A_175 = arith.constant 0 : i32
      %dma_start3A_176 = tpu.memref_slice %arg2[%add3A_158, %dma_start3A_175, %mul3A_162] : memref<128x16x32768xf32, #tpu.memory_space<hbm>> -> memref<1x16x128xf32, #tpu.memory_space<hbm>>
      %dma_start3A_177 = tpu.memref_squeeze %dma_start3A_176 : memref<1x16x128xf32, #tpu.memory_space<hbm>> -> memref<16x128xf32, #tpu.memory_space<hbm>>
      tpu.enqueue_dma source(%dma_start3A_177 : memref<16x128xf32, #tpu.memory_space<hbm>>) target(%dma_start3A_174 : memref<16x128xf32, #tpu.memory_space<vmem>>) target_semaphore(%arg12 : memref<!tpu.dma_semaphore, #tpu.memory_space<semaphore_mem>>)
      %dma_wait3A = arith.constant 0 : i32
      %dma_wait3A_178 = arith.constant 0 : i32
      %dma_wait3A_179 = arith.constant 0 : i32
      %dma_wait3A_180 = tpu.memref_slice %arg10[%dma_wait3A, %dma_wait3A_178, %dma_wait3A_179] : memref<8x16x128xf32, #tpu.memory_space<vmem>> -> memref<1x16x128xf32, #tpu.memory_space<vmem>>
      %dma_wait3A_181 = tpu.memref_squeeze %dma_wait3A_180 : memref<1x16x128xf32, #tpu.memory_space<vmem>> -> memref<16x128xf32, #tpu.memory_space<vmem>>
      %dma_wait3A_182 = arith.constant 0 : i32
      %dma_wait3A_183 = tpu.memref_slice %arg2[%add3A_14, %dma_wait3A_182, %mul3A_16] : memref<128x16x32768xf32, #tpu.memory_space<hbm>> -> memref<1x16x128xf32, #tpu.memory_space<hbm>>
      %dma_wait3A_184 = tpu.memref_squeeze %dma_wait3A_183 : memref<1x16x128xf32, #tpu.memory_space<hbm>> -> memref<16x128xf32, #tpu.memory_space<hbm>>
      %dma_wait3A_185 = arith.constant 0 : i32
      %dma_wait3A_186 = arith.constant 0 : i32
      %dma_wait3A_187 = tpu.memref_slice %arg10[%dma_wait3A, %dma_wait3A_185, %dma_wait3A_186] : memref<8x16x128xf32, #tpu.memory_space<vmem>> -> memref<1x16x128xf32, #tpu.memory_space<vmem>>
      %dma_wait3A_188 = tpu.memref_squeeze %dma_wait3A_187 : memref<1x16x128xf32, #tpu.memory_space<vmem>> -> memref<16x128xf32, #tpu.memory_space<vmem>>
      %dma_wait3A_189 = arith.constant 0 : i32
      %dma_wait3A_190 = tpu.memref_slice %arg2[%add3A_14, %dma_wait3A_189, %mul3A_16] : memref<128x16x32768xf32, #tpu.memory_space<hbm>> -> memref<1x16x128xf32, #tpu.memory_space<hbm>>
      %dma_wait3A_191 = tpu.memref_squeeze %dma_wait3A_190 : memref<1x16x128xf32, #tpu.memory_space<hbm>> -> memref<16x128xf32, #tpu.memory_space<hbm>>
      tpu.wait_dma2 semaphore(%arg12 : memref<!tpu.dma_semaphore, #tpu.memory_space<semaphore_mem>>) src(%dma_wait3A_191 : memref<16x128xf32, #tpu.memory_space<hbm>>) dst(%dma_wait3A_188 : memref<16x128xf32, #tpu.memory_space<vmem>>)
      %dma_wait3A_192 = arith.constant 1 : i32
      %dma_wait3A_193 = arith.constant 0 : i32
      %dma_wait3A_194 = arith.constant 0 : i32
      %dma_wait3A_195 = tpu.memref_slice %arg10[%dma_wait3A_192, %dma_wait3A_193, %dma_wait3A_194] : memref<8x16x128xf32, #tpu.memory_space<vmem>> -> memref<1x16x128xf32, #tpu.memory_space<vmem>>
      %dma_wait3A_196 = tpu.memref_squeeze %dma_wait3A_195 : memref<1x16x128xf32, #tpu.memory_space<vmem>> -> memref<16x128xf32, #tpu.memory_space<vmem>>
      %dma_wait3A_197 = arith.constant 0 : i32
      %dma_wait3A_198 = tpu.memref_slice %arg2[%add3A_32, %dma_wait3A_197, %mul3A_36] : memref<128x16x32768xf32, #tpu.memory_space<hbm>> -> memref<1x16x128xf32, #tpu.memory_space<hbm>>
      %dma_wait3A_199 = tpu.memref_squeeze %dma_wait3A_198 : memref<1x16x128xf32, #tpu.memory_space<hbm>> -> memref<16x128xf32, #tpu.memory_space<hbm>>
      %dma_wait3A_200 = arith.constant 0 : i32
      %dma_wait3A_201 = arith.constant 0 : i32
      %dma_wait3A_202 = tpu.memref_slice %arg10[%dma_wait3A_192, %dma_wait3A_200, %dma_wait3A_201] : memref<8x16x128xf32, #tpu.memory_space<vmem>> -> memref<1x16x128xf32, #tpu.memory_space<vmem>>
      %dma_wait3A_203 = tpu.memref_squeeze %dma_wait3A_202 : memref<1x16x128xf32, #tpu.memory_space<vmem>> -> memref<16x128xf32, #tpu.memory_space<vmem>>
      %dma_wait3A_204 = arith.constant 0 : i32
      %dma_wait3A_205 = tpu.memref_slice %arg2[%add3A_32, %dma_wait3A_204, %mul3A_36] : memref<128x16x32768xf32, #tpu.memory_space<hbm>> -> memref<1x16x128xf32, #tpu.memory_space<hbm>>
      %dma_wait3A_206 = tpu.memref_squeeze %dma_wait3A_205 : memref<1x16x128xf32, #tpu.memory_space<hbm>> -> memref<16x128xf32, #tpu.memory_space<hbm>>
      tpu.wait_dma2 semaphore(%arg12 : memref<!tpu.dma_semaphore, #tpu.memory_space<semaphore_mem>>) src(%dma_wait3A_206 : memref<16x128xf32, #tpu.memory_space<hbm>>) dst(%dma_wait3A_203 : memref<16x128xf32, #tpu.memory_space<vmem>>)
      %dma_wait3A_207 = arith.constant 2 : i32
      %dma_wait3A_208 = arith.constant 0 : i32
      %dma_wait3A_209 = arith.constant 0 : i32
      %dma_wait3A_210 = tpu.memref_slice %arg10[%dma_wait3A_207, %dma_wait3A_208, %dma_wait3A_209] : memref<8x16x128xf32, #tpu.memory_space<vmem>> -> memref<1x16x128xf32, #tpu.memory_space<vmem>>
      %dma_wait3A_211 = tpu.memref_squeeze %dma_wait3A_210 : memref<1x16x128xf32, #tpu.memory_space<vmem>> -> memref<16x128xf32, #tpu.memory_space<vmem>>
      %dma_wait3A_212 = arith.constant 0 : i32
      %dma_wait3A_213 = tpu.memref_slice %arg2[%add3A_53, %dma_wait3A_212, %mul3A_57] : memref<128x16x32768xf32, #tpu.memory_space<hbm>> -> memref<1x16x128xf32, #tpu.memory_space<hbm>>
      %dma_wait3A_214 = tpu.memref_squeeze %dma_wait3A_213 : memref<1x16x128xf32, #tpu.memory_space<hbm>> -> memref<16x128xf32, #tpu.memory_space<hbm>>
      %dma_wait3A_215 = arith.constant 0 : i32
      %dma_wait3A_216 = arith.constant 0 : i32
      %dma_wait3A_217 = tpu.memref_slice %arg10[%dma_wait3A_207, %dma_wait3A_215, %dma_wait3A_216] : memref<8x16x128xf32, #tpu.memory_space<vmem>> -> memref<1x16x128xf32, #tpu.memory_space<vmem>>
      %dma_wait3A_218 = tpu.memref_squeeze %dma_wait3A_217 : memref<1x16x128xf32, #tpu.memory_space<vmem>> -> memref<16x128xf32, #tpu.memory_space<vmem>>
      %dma_wait3A_219 = arith.constant 0 : i32
      %dma_wait3A_220 = tpu.memref_slice %arg2[%add3A_53, %dma_wait3A_219, %mul3A_57] : memref<128x16x32768xf32, #tpu.memory_space<hbm>> -> memref<1x16x128xf32, #tpu.memory_space<hbm>>
      %dma_wait3A_221 = tpu.memref_squeeze %dma_wait3A_220 : memref<1x16x128xf32, #tpu.memory_space<hbm>> -> memref<16x128xf32, #tpu.memory_space<hbm>>
      tpu.wait_dma2 semaphore(%arg12 : memref<!tpu.dma_semaphore, #tpu.memory_space<semaphore_mem>>) src(%dma_wait3A_221 : memref<16x128xf32, #tpu.memory_space<hbm>>) dst(%dma_wait3A_218 : memref<16x128xf32, #tpu.memory_space<vmem>>)
      %dma_wait3A_222 = arith.constant 3 : i32
      %dma_wait3A_223 = arith.constant 0 : i32
      %dma_wait3A_224 = arith.constant 0 : i32
      %dma_wait3A_225 = tpu.memref_slice %arg10[%dma_wait3A_222, %dma_wait3A_223, %dma_wait3A_224] : memref<8x16x128xf32, #tpu.memory_space<vmem>> -> memref<1x16x128xf32, #tpu.memory_space<vmem>>
      %dma_wait3A_226 = tpu.memref_squeeze %dma_wait3A_225 : memref<1x16x128xf32, #tpu.memory_space<vmem>> -> memref<16x128xf32, #tpu.memory_space<vmem>>
      %dma_wait3A_227 = arith.constant 0 : i32
      %dma_wait3A_228 = tpu.memref_slice %arg2[%add3A_74, %dma_wait3A_227, %mul3A_78] : memref<128x16x32768xf32, #tpu.memory_space<hbm>> -> memref<1x16x128xf32, #tpu.memory_space<hbm>>
      %dma_wait3A_229 = tpu.memref_squeeze %dma_wait3A_228 : memref<1x16x128xf32, #tpu.memory_space<hbm>> -> memref<16x128xf32, #tpu.memory_space<hbm>>
      %dma_wait3A_230 = arith.constant 0 : i32
      %dma_wait3A_231 = arith.constant 0 : i32
      %dma_wait3A_232 = tpu.memref_slice %arg10[%dma_wait3A_222, %dma_wait3A_230, %dma_wait3A_231] : memref<8x16x128xf32, #tpu.memory_space<vmem>> -> memref<1x16x128xf32, #tpu.memory_space<vmem>>
      %dma_wait3A_233 = tpu.memref_squeeze %dma_wait3A_232 : memref<1x16x128xf32, #tpu.memory_space<vmem>> -> memref<16x128xf32, #tpu.memory_space<vmem>>
      %dma_wait3A_234 = arith.constant 0 : i32
      %dma_wait3A_235 = tpu.memref_slice %arg2[%add3A_74, %dma_wait3A_234, %mul3A_78] : memref<128x16x32768xf32, #tpu.memory_space<hbm>> -> memref<1x16x128xf32, #tpu.memory_space<hbm>>
      %dma_wait3A_236 = tpu.memref_squeeze %dma_wait3A_235 : memref<1x16x128xf32, #tpu.memory_space<hbm>> -> memref<16x128xf32, #tpu.memory_space<hbm>>
      tpu.wait_dma2 semaphore(%arg12 : memref<!tpu.dma_semaphore, #tpu.memory_space<semaphore_mem>>) src(%dma_wait3A_236 : memref<16x128xf32, #tpu.memory_space<hbm>>) dst(%dma_wait3A_233 : memref<16x128xf32, #tpu.memory_space<vmem>>)
      %dma_wait3A_237 = arith.constant 4 : i32
      %dma_wait3A_238 = arith.constant 0 : i32
      %dma_wait3A_239 = arith.constant 0 : i32
      %dma_wait3A_240 = tpu.memref_slice %arg10[%dma_wait3A_237, %dma_wait3A_238, %dma_wait3A_239] : memref<8x16x128xf32, #tpu.memory_space<vmem>> -> memref<1x16x128xf32, #tpu.memory_space<vmem>>
      %dma_wait3A_241 = tpu.memref_squeeze %dma_wait3A_240 : memref<1x16x128xf32, #tpu.memory_space<vmem>> -> memref<16x128xf32, #tpu.memory_space<vmem>>
      %dma_wait3A_242 = arith.constant 0 : i32
      %dma_wait3A_243 = tpu.memref_slice %arg2[%add3A_95, %dma_wait3A_242, %mul3A_99] : memref<128x16x32768xf32, #tpu.memory_space<hbm>> -> memref<1x16x128xf32, #tpu.memory_space<hbm>>
      %dma_wait3A_244 = tpu.memref_squeeze %dma_wait3A_243 : memref<1x16x128xf32, #tpu.memory_space<hbm>> -> memref<16x128xf32, #tpu.memory_space<hbm>>
      %dma_wait3A_245 = arith.constant 0 : i32
      %dma_wait3A_246 = arith.constant 0 : i32
      %dma_wait3A_247 = tpu.memref_slice %arg10[%dma_wait3A_237, %dma_wait3A_245, %dma_wait3A_246] : memref<8x16x128xf32, #tpu.memory_space<vmem>> -> memref<1x16x128xf32, #tpu.memory_space<vmem>>
      %dma_wait3A_248 = tpu.memref_squeeze %dma_wait3A_247 : memref<1x16x128xf32, #tpu.memory_space<vmem>> -> memref<16x128xf32, #tpu.memory_space<vmem>>
      %dma_wait3A_249 = arith.constant 0 : i32
      %dma_wait3A_250 = tpu.memref_slice %arg2[%add3A_95, %dma_wait3A_249, %mul3A_99] : memref<128x16x32768xf32, #tpu.memory_space<hbm>> -> memref<1x16x128xf32, #tpu.memory_space<hbm>>
      %dma_wait3A_251 = tpu.memref_squeeze %dma_wait3A_250 : memref<1x16x128xf32, #tpu.memory_space<hbm>> -> memref<16x128xf32, #tpu.memory_space<hbm>>
      tpu.wait_dma2 semaphore(%arg12 : memref<!tpu.dma_semaphore, #tpu.memory_space<semaphore_mem>>) src(%dma_wait3A_251 : memref<16x128xf32, #tpu.memory_space<hbm>>) dst(%dma_wait3A_248 : memref<16x128xf32, #tpu.memory_space<vmem>>)
      %dma_wait3A_252 = arith.constant 5 : i32
      %dma_wait3A_253 = arith.constant 0 : i32
      %dma_wait3A_254 = arith.constant 0 : i32
      %dma_wait3A_255 = tpu.memref_slice %arg10[%dma_wait3A_252, %dma_wait3A_253, %dma_wait3A_254] : memref<8x16x128xf32, #tpu.memory_space<vmem>> -> memref<1x16x128xf32, #tpu.memory_space<vmem>>
      %dma_wait3A_256 = tpu.memref_squeeze %dma_wait3A_255 : memref<1x16x128xf32, #tpu.memory_space<vmem>> -> memref<16x128xf32, #tpu.memory_space<vmem>>
      %dma_wait3A_257 = arith.constant 0 : i32
      %dma_wait3A_258 = tpu.memref_slice %arg2[%add3A_116, %dma_wait3A_257, %mul3A_120] : memref<128x16x32768xf32, #tpu.memory_space<hbm>> -> memref<1x16x128xf32, #tpu.memory_space<hbm>>
      %dma_wait3A_259 = tpu.memref_squeeze %dma_wait3A_258 : memref<1x16x128xf32, #tpu.memory_space<hbm>> -> memref<16x128xf32, #tpu.memory_space<hbm>>
      %dma_wait3A_260 = arith.constant 0 : i32
      %dma_wait3A_261 = arith.constant 0 : i32
      %dma_wait3A_262 = tpu.memref_slice %arg10[%dma_wait3A_252, %dma_wait3A_260, %dma_wait3A_261] : memref<8x16x128xf32, #tpu.memory_space<vmem>> -> memref<1x16x128xf32, #tpu.memory_space<vmem>>
      %dma_wait3A_263 = tpu.memref_squeeze %dma_wait3A_262 : memref<1x16x128xf32, #tpu.memory_space<vmem>> -> memref<16x128xf32, #tpu.memory_space<vmem>>
      %dma_wait3A_264 = arith.constant 0 : i32
      %dma_wait3A_265 = tpu.memref_slice %arg2[%add3A_116, %dma_wait3A_264, %mul3A_120] : memref<128x16x32768xf32, #tpu.memory_space<hbm>> -> memref<1x16x128xf32, #tpu.memory_space<hbm>>
      %dma_wait3A_266 = tpu.memref_squeeze %dma_wait3A_265 : memref<1x16x128xf32, #tpu.memory_space<hbm>> -> memref<16x128xf32, #tpu.memory_space<hbm>>
      tpu.wait_dma2 semaphore(%arg12 : memref<!tpu.dma_semaphore, #tpu.memory_space<semaphore_mem>>) src(%dma_wait3A_266 : memref<16x128xf32, #tpu.memory_space<hbm>>) dst(%dma_wait3A_263 : memref<16x128xf32, #tpu.memory_space<vmem>>)
      %dma_wait3A_267 = arith.constant 6 : i32
      %dma_wait3A_268 = arith.constant 0 : i32
      %dma_wait3A_269 = arith.constant 0 : i32
      %dma_wait3A_270 = tpu.memref_slice %arg10[%dma_wait3A_267, %dma_wait3A_268, %dma_wait3A_269] : memref<8x16x128xf32, #tpu.memory_space<vmem>> -> memref<1x16x128xf32, #tpu.memory_space<vmem>>
      %dma_wait3A_271 = tpu.memref_squeeze %dma_wait3A_270 : memref<1x16x128xf32, #tpu.memory_space<vmem>> -> memref<16x128xf32, #tpu.memory_space<vmem>>
      %dma_wait3A_272 = arith.constant 0 : i32
      %dma_wait3A_273 = tpu.memref_slice %arg2[%add3A_137, %dma_wait3A_272, %mul3A_141] : memref<128x16x32768xf32, #tpu.memory_space<hbm>> -> memref<1x16x128xf32, #tpu.memory_space<hbm>>
      %dma_wait3A_274 = tpu.memref_squeeze %dma_wait3A_273 : memref<1x16x128xf32, #tpu.memory_space<hbm>> -> memref<16x128xf32, #tpu.memory_space<hbm>>
      %dma_wait3A_275 = arith.constant 0 : i32
      %dma_wait3A_276 = arith.constant 0 : i32
      %dma_wait3A_277 = tpu.memref_slice %arg10[%dma_wait3A_267, %dma_wait3A_275, %dma_wait3A_276] : memref<8x16x128xf32, #tpu.memory_space<vmem>> -> memref<1x16x128xf32, #tpu.memory_space<vmem>>
      %dma_wait3A_278 = tpu.memref_squeeze %dma_wait3A_277 : memref<1x16x128xf32, #tpu.memory_space<vmem>> -> memref<16x128xf32, #tpu.memory_space<vmem>>
      %dma_wait3A_279 = arith.constant 0 : i32
      %dma_wait3A_280 = tpu.memref_slice %arg2[%add3A_137, %dma_wait3A_279, %mul3A_141] : memref<128x16x32768xf32, #tpu.memory_space<hbm>> -> memref<1x16x128xf32, #tpu.memory_space<hbm>>
      %dma_wait3A_281 = tpu.memref_squeeze %dma_wait3A_280 : memref<1x16x128xf32, #tpu.memory_space<hbm>> -> memref<16x128xf32, #tpu.memory_space<hbm>>
      tpu.wait_dma2 semaphore(%arg12 : memref<!tpu.dma_semaphore, #tpu.memory_space<semaphore_mem>>) src(%dma_wait3A_281 : memref<16x128xf32, #tpu.memory_space<hbm>>) dst(%dma_wait3A_278 : memref<16x128xf32, #tpu.memory_space<vmem>>)
      %dma_wait3A_282 = arith.constant 7 : i32
      %dma_wait3A_283 = arith.constant 0 : i32
      %dma_wait3A_284 = arith.constant 0 : i32
      %dma_wait3A_285 = tpu.memref_slice %arg10[%dma_wait3A_282, %dma_wait3A_283, %dma_wait3A_284] : memref<8x16x128xf32, #tpu.memory_space<vmem>> -> memref<1x16x128xf32, #tpu.memory_space<vmem>>
      %dma_wait3A_286 = tpu.memref_squeeze %dma_wait3A_285 : memref<1x16x128xf32, #tpu.memory_space<vmem>> -> memref<16x128xf32, #tpu.memory_space<vmem>>
      %dma_wait3A_287 = arith.constant 0 : i32
      %dma_wait3A_288 = tpu.memref_slice %arg2[%add3A_158, %dma_wait3A_287, %mul3A_162] : memref<128x16x32768xf32, #tpu.memory_space<hbm>> -> memref<1x16x128xf32, #tpu.memory_space<hbm>>
      %dma_wait3A_289 = tpu.memref_squeeze %dma_wait3A_288 : memref<1x16x128xf32, #tpu.memory_space<hbm>> -> memref<16x128xf32, #tpu.memory_space<hbm>>
      %dma_wait3A_290 = arith.constant 0 : i32
      %dma_wait3A_291 = arith.constant 0 : i32
      %dma_wait3A_292 = tpu.memref_slice %arg10[%dma_wait3A_282, %dma_wait3A_290, %dma_wait3A_291] : memref<8x16x128xf32, #tpu.memory_space<vmem>> -> memref<1x16x128xf32, #tpu.memory_space<vmem>>
      %dma_wait3A_293 = tpu.memref_squeeze %dma_wait3A_292 : memref<1x16x128xf32, #tpu.memory_space<vmem>> -> memref<16x128xf32, #tpu.memory_space<vmem>>
      %dma_wait3A_294 = arith.constant 0 : i32
      %dma_wait3A_295 = tpu.memref_slice %arg2[%add3A_158, %dma_wait3A_294, %mul3A_162] : memref<128x16x32768xf32, #tpu.memory_space<hbm>> -> memref<1x16x128xf32, #tpu.memory_space<hbm>>
      %dma_wait3A_296 = tpu.memref_squeeze %dma_wait3A_295 : memref<1x16x128xf32, #tpu.memory_space<hbm>> -> memref<16x128xf32, #tpu.memory_space<hbm>>
      tpu.wait_dma2 semaphore(%arg12 : memref<!tpu.dma_semaphore, #tpu.memory_space<semaphore_mem>>) src(%dma_wait3A_296 : memref<16x128xf32, #tpu.memory_space<hbm>>) dst(%dma_wait3A_293 : memref<16x128xf32, #tpu.memory_space<vmem>>)
      %iota3A_297 = tpu.iota {dimensions = array<i32: 0>} : vector<16xi32>
      %slice3A_298 = vector.extract_strided_slice %and3A_10 {offsets = [0], sizes = [1], strides = [1]} : vector<16xi32> to vector<1xi32>
      %squeeze3A_299 = vector.extract %slice3A_298[0] : i32 from vector<1xi32>
      %broadcast_in_dim3A_300 = vector.broadcast %squeeze3A_299 : i32 to vector<16xi32>
      %broadcast_in_dim3A_301 = arith.constant 0 : i32
      %broadcast_in_dim3A_302 = vector.broadcast %broadcast_in_dim3A_301 : i32 to vector<16xi32>
      %gather3A_303 = tpu.vector_load_idx %arg10[%broadcast_in_dim3A_302, %iota3A_297, %broadcast_in_dim3A_300] : memref<8x16x128xf32, #tpu.memory_space<vmem>>[vector<16xi32>, vector<16xi32>, vector<16xi32>], vector<16xf32>,
      %swap3A_304 = arith.constant 0 : i32
      %swap3A_305 = arith.index_cast %swap3A_304 : i32 to index
      %swap3A_306 = arith.constant 0 : index
      %swap3A_307 = tpu.vector_load %arg11[%swap3A_305, %swap3A_306] {strides = array<i32>} : memref<8x16xf32, #tpu.memory_space<vmem>>, vector<16xf32>,
      tpu.vector_store %arg11[%swap3A_305, %swap3A_306], %gather3A_303 {strides = array<i32>} : memref<8x16xf32, #tpu.memory_space<vmem>>, vector<16xf32>,
      %slice3A_308 = vector.extract_strided_slice %and3A_10 {offsets = [1], sizes = [1], strides = [1]} : vector<16xi32> to vector<1xi32>
      %squeeze3A_309 = vector.extract %slice3A_308[0] : i32 from vector<1xi32>
      %broadcast_in_dim3A_310 = vector.broadcast %squeeze3A_309 : i32 to vector<16xi32>
      %broadcast_in_dim3A_311 = arith.constant 1 : i32
      %broadcast_in_dim3A_312 = vector.broadcast %broadcast_in_dim3A_311 : i32 to vector<16xi32>
      %gather3A_313 = tpu.vector_load_idx %arg10[%broadcast_in_dim3A_312, %iota3A_297, %broadcast_in_dim3A_310] : memref<8x16x128xf32, #tpu.memory_space<vmem>>[vector<16xi32>, vector<16xi32>, vector<16xi32>], vector<16xf32>,
      %swap3A_314 = arith.constant 1 : i32
      %swap3A_315 = arith.index_cast %swap3A_314 : i32 to index
      %swap3A_316 = arith.constant 0 : index
      %swap3A_317 = tpu.vector_load %arg11[%swap3A_315, %swap3A_316] {strides = array<i32>} : memref<8x16xf32, #tpu.memory_space<vmem>>, vector<16xf32>,
      tpu.vector_store %arg11[%swap3A_315, %swap3A_316], %gather3A_313 {strides = array<i32>} : memref<8x16xf32, #tpu.memory_space<vmem>>, vector<16xf32>,
      %slice3A_318 = vector.extract_strided_slice %and3A_10 {offsets = [2], sizes = [1], strides = [1]} : vector<16xi32> to vector<1xi32>
      %squeeze3A_319 = vector.extract %slice3A_318[0] : i32 from vector<1xi32>
      %broadcast_in_dim3A_320 = vector.broadcast %squeeze3A_319 : i32 to vector<16xi32>
      %broadcast_in_dim3A_321 = arith.constant 2 : i32
      %broadcast_in_dim3A_322 = vector.broadcast %broadcast_in_dim3A_321 : i32 to vector<16xi32>
      %gather3A_323 = tpu.vector_load_idx %arg10[%broadcast_in_dim3A_322, %iota3A_297, %broadcast_in_dim3A_320] : memref<8x16x128xf32, #tpu.memory_space<vmem>>[vector<16xi32>, vector<16xi32>, vector<16xi32>], vector<16xf32>,
      %swap3A_324 = arith.constant 2 : i32
      %swap3A_325 = arith.index_cast %swap3A_324 : i32 to index
      %swap3A_326 = arith.constant 0 : index
      %swap3A_327 = tpu.vector_load %arg11[%swap3A_325, %swap3A_326] {strides = array<i32>} : memref<8x16xf32, #tpu.memory_space<vmem>>, vector<16xf32>,
      tpu.vector_store %arg11[%swap3A_325, %swap3A_326], %gather3A_323 {strides = array<i32>} : memref<8x16xf32, #tpu.memory_space<vmem>>, vector<16xf32>,
      %slice3A_328 = vector.extract_strided_slice %and3A_10 {offsets = [3], sizes = [1], strides = [1]} : vector<16xi32> to vector<1xi32>
      %squeeze3A_329 = vector.extract %slice3A_328[0] : i32 from vector<1xi32>
      %broadcast_in_dim3A_330 = vector.broadcast %squeeze3A_329 : i32 to vector<16xi32>
      %broadcast_in_dim3A_331 = arith.constant 3 : i32
      %broadcast_in_dim3A_332 = vector.broadcast %broadcast_in_dim3A_331 : i32 to vector<16xi32>
      %gather3A_333 = tpu.vector_load_idx %arg10[%broadcast_in_dim3A_332, %iota3A_297, %broadcast_in_dim3A_330] : memref<8x16x128xf32, #tpu.memory_space<vmem>>[vector<16xi32>, vector<16xi32>, vector<16xi32>], vector<16xf32>,
      %swap3A_334 = arith.constant 3 : i32
      %swap3A_335 = arith.index_cast %swap3A_334 : i32 to index
      %swap3A_336 = arith.constant 0 : index
      %swap3A_337 = tpu.vector_load %arg11[%swap3A_335, %swap3A_336] {strides = array<i32>} : memref<8x16xf32, #tpu.memory_space<vmem>>, vector<16xf32>,
      tpu.vector_store %arg11[%swap3A_335, %swap3A_336], %gather3A_333 {strides = array<i32>} : memref<8x16xf32, #tpu.memory_space<vmem>>, vector<16xf32>,
      %slice3A_338 = vector.extract_strided_slice %and3A_10 {offsets = [4], sizes = [1], strides = [1]} : vector<16xi32> to vector<1xi32>
      %squeeze3A_339 = vector.extract %slice3A_338[0] : i32 from vector<1xi32>
      %broadcast_in_dim3A_340 = vector.broadcast %squeeze3A_339 : i32 to vector<16xi32>
      %broadcast_in_dim3A_341 = arith.constant 4 : i32
      %broadcast_in_dim3A_342 = vector.broadcast %broadcast_in_dim3A_341 : i32 to vector<16xi32>
      %gather3A_343 = tpu.vector_load_idx %arg10[%broadcast_in_dim3A_342, %iota3A_297, %broadcast_in_dim3A_340] : memref<8x16x128xf32, #tpu.memory_space<vmem>>[vector<16xi32>, vector<16xi32>, vector<16xi32>], vector<16xf32>,
      %swap3A_344 = arith.constant 4 : i32
      %swap3A_345 = arith.index_cast %swap3A_344 : i32 to index
      %swap3A_346 = arith.constant 0 : index
      %swap3A_347 = tpu.vector_load %arg11[%swap3A_345, %swap3A_346] {strides = array<i32>} : memref<8x16xf32, #tpu.memory_space<vmem>>, vector<16xf32>,
      tpu.vector_store %arg11[%swap3A_345, %swap3A_346], %gather3A_343 {strides = array<i32>} : memref<8x16xf32, #tpu.memory_space<vmem>>, vector<16xf32>,
      %slice3A_348 = vector.extract_strided_slice %and3A_10 {offsets = [5], sizes = [1], strides = [1]} : vector<16xi32> to vector<1xi32>
      %squeeze3A_349 = vector.extract %slice3A_348[0] : i32 from vector<1xi32>
      %broadcast_in_dim3A_350 = vector.broadcast %squeeze3A_349 : i32 to vector<16xi32>
      %broadcast_in_dim3A_351 = arith.constant 5 : i32
      %broadcast_in_dim3A_352 = vector.broadcast %broadcast_in_dim3A_351 : i32 to vector<16xi32>
      %gather3A_353 = tpu.vector_load_idx %arg10[%broadcast_in_dim3A_352, %iota3A_297, %broadcast_in_dim3A_350] : memref<8x16x128xf32, #tpu.memory_space<vmem>>[vector<16xi32>, vector<16xi32>, vector<16xi32>], vector<16xf32>,
      %swap3A_354 = arith.constant 5 : i32
      %swap3A_355 = arith.index_cast %swap3A_354 : i32 to index
      %swap3A_356 = arith.constant 0 : index
      %swap3A_357 = tpu.vector_load %arg11[%swap3A_355, %swap3A_356] {strides = array<i32>} : memref<8x16xf32, #tpu.memory_space<vmem>>, vector<16xf32>,
      tpu.vector_store %arg11[%swap3A_355, %swap3A_356], %gather3A_353 {strides = array<i32>} : memref<8x16xf32, #tpu.memory_space<vmem>>, vector<16xf32>,
      %slice3A_358 = vector.extract_strided_slice %and3A_10 {offsets = [6], sizes = [1], strides = [1]} : vector<16xi32> to vector<1xi32>
      %squeeze3A_359 = vector.extract %slice3A_358[0] : i32 from vector<1xi32>
      %broadcast_in_dim3A_360 = vector.broadcast %squeeze3A_359 : i32 to vector<16xi32>
      %broadcast_in_dim3A_361 = arith.constant 6 : i32
      %broadcast_in_dim3A_362 = vector.broadcast %broadcast_in_dim3A_361 : i32 to vector<16xi32>
      %gather3A_363 = tpu.vector_load_idx %arg10[%broadcast_in_dim3A_362, %iota3A_297, %broadcast_in_dim3A_360] : memref<8x16x128xf32, #tpu.memory_space<vmem>>[vector<16xi32>, vector<16xi32>, vector<16xi32>], vector<16xf32>,
      %swap3A_364 = arith.constant 6 : i32
      %swap3A_365 = arith.index_cast %swap3A_364 : i32 to index
      %swap3A_366 = arith.constant 0 : index
      %swap3A_367 = tpu.vector_load %arg11[%swap3A_365, %swap3A_366] {strides = array<i32>} : memref<8x16xf32, #tpu.memory_space<vmem>>, vector<16xf32>,
      tpu.vector_store %arg11[%swap3A_365, %swap3A_366], %gather3A_363 {strides = array<i32>} : memref<8x16xf32, #tpu.memory_space<vmem>>, vector<16xf32>,
      %slice3A_368 = vector.extract_strided_slice %and3A_10 {offsets = [7], sizes = [1], strides = [1]} : vector<16xi32> to vector<1xi32>
      %squeeze3A_369 = vector.extract %slice3A_368[0] : i32 from vector<1xi32>
      %broadcast_in_dim3A_370 = vector.broadcast %squeeze3A_369 : i32 to vector<16xi32>
      %broadcast_in_dim3A_371 = arith.constant 7 : i32
      %broadcast_in_dim3A_372 = vector.broadcast %broadcast_in_dim3A_371 : i32 to vector<16xi32>
      %gather3A_373 = tpu.vector_load_idx %arg10[%broadcast_in_dim3A_372, %iota3A_297, %broadcast_in_dim3A_370] : memref<8x16x128xf32, #tpu.memory_space<vmem>>[vector<16xi32>, vector<16xi32>, vector<16xi32>], vector<16xf32>,
      %swap3A_374 = arith.constant 7 : i32
      %swap3A_375 = arith.index_cast %swap3A_374 : i32 to index
      %swap3A_376 = arith.constant 0 : index
      %swap3A_377 = tpu.vector_load %arg11[%swap3A_375, %swap3A_376] {strides = array<i32>} : memref<8x16xf32, #tpu.memory_space<vmem>>, vector<16xf32>,
      tpu.vector_store %arg11[%swap3A_375, %swap3A_376], %gather3A_373 {strides = array<i32>} : memref<8x16xf32, #tpu.memory_space<vmem>>, vector<16xf32>,
      "tpu.region"() ({
        %run_scoped3A = tpu.sem_alloc : memref<!tpu.dma_semaphore, #tpu.memory_space<semaphore_mem>>
        %dma_start3A_378 = arith.constant 0 : i32
        %dma_start3A_379 = tpu.memref_slice %arg5[%mul3A_2, %dma_start3A_378] : memref<128x16xf32, #tpu.memory_space<hbm>> -> memref<8x16xf32, #tpu.memory_space<hbm>>
        %dma_start3A_380 = arith.constant 0 : i32
        %dma_start3A_381 = tpu.memref_slice %arg5[%mul3A_2, %dma_start3A_380] : memref<128x16xf32, #tpu.memory_space<hbm>> -> memref<8x16xf32, #tpu.memory_space<hbm>>
        tpu.enqueue_dma source(%arg11 : memref<8x16xf32, #tpu.memory_space<vmem>>) target(%dma_start3A_381 : memref<8x16xf32, #tpu.memory_space<hbm>>) target_semaphore(%run_scoped3A : memref<!tpu.dma_semaphore, #tpu.memory_space<semaphore_mem>>)
        %dma_wait3A_382 = arith.constant 0 : i32
        %dma_wait3A_383 = tpu.memref_slice %arg5[%mul3A_2, %dma_wait3A_382] : memref<128x16xf32, #tpu.memory_space<hbm>> -> memref<8x16xf32, #tpu.memory_space<hbm>>
        %dma_wait3A_384 = arith.constant 0 : i32
        %dma_wait3A_385 = tpu.memref_slice %arg5[%mul3A_2, %dma_wait3A_384] : memref<128x16xf32, #tpu.memory_space<hbm>> -> memref<8x16xf32, #tpu.memory_space<hbm>>
        tpu.wait_dma2 semaphore(%run_scoped3A : memref<!tpu.dma_semaphore, #tpu.memory_space<semaphore_mem>>) src(%arg11 : memref<8x16xf32, #tpu.memory_space<vmem>>) dst(%dma_wait3A_385 : memref<8x16xf32, #tpu.memory_space<hbm>>)
        tpu.yield
      }) : () -> ()
    } else {
    }
    return
  }
}

module attributes {stable_mosaic.version = 14 : i64} {
  func.func @_dense_body(%arg0: i32, %arg1: memref<32x32768xf32, #tpu.memory_space<vmem>>, %arg2: memref<32x32768xf32, #tpu.memory_space<vmem>>, %arg3: memref<32x128xf32, #tpu.memory_space<vmem>>, %arg4: memref<32x128xi32, #tpu.memory_space<vmem>>) attributes {dimension_semantics = [#tpu.dimension_semantics<arbitrary>], iteration_bounds = array<i64: 4>, scalar_prefetch = 0 : i64, scratch_operands = 0 : i64, tpu.core_type = #tpu.core_type<tc>, window_params = [{transform_indices = @transform_0, window_bounds = array<i64: 32, 32768>}, {transform_indices = @transform_1, window_bounds = array<i64: 32, 32768>}, {transform_indices = @transform_2, window_bounds = array<i64: 32, 128>}, {transform_indices = @transform_3, window_bounds = array<i64: 32, 128>}]} {
    %get3A = arith.constant 0 : index
    %get3A_0 = arith.constant 0 : index
    %get3A_1 = vector.load %arg1[%get3A, %get3A_0] : memref<32x32768xf32, #tpu.memory_space<vmem>>, vector<32x32768xf32>
    %reduce_max3A = arith.constant dense<0xFF800000> : vector<32xf32>
    %reduce_max3A_2 = vector.multi_reduction <maximumf>, %get3A_1, %reduce_max3A [1] : vector<32x32768xf32> to vector<32xf32>
    %broadcast_in_dim3A = vector.shape_cast %reduce_max3A_2 : vector<32xf32> to vector<32x1xf32>
    %iota3A = tpu.iota {dimensions = array<i32: 1>} : vector<32x32768xi32>
    %eq3A = vector.broadcast %broadcast_in_dim3A : vector<32x1xf32> to vector<32x32768xf32>
    %eq3A_3 = arith.cmpf oeq, %get3A_1, %eq3A : vector<32x32768xf32>
    %jit3A = arith.constant 32768 : i32
    %broadcast_in_dim3A_4 = vector.broadcast %jit3A : i32 to vector<32x32768xi32>
    %select_n3A = arith.select %eq3A_3, %iota3A, %broadcast_in_dim3A_4 : vector<32x32768xi1>, vector<32x32768xi32>
    %reduce_min3A = arith.constant dense<2147483647> : vector<32xi32>
    %reduce_min3A_5 = vector.multi_reduction <minsi>, %select_n3A, %reduce_min3A [1] : vector<32x32768xi32> to vector<32xi32>
    %sub3A = vector.broadcast %broadcast_in_dim3A : vector<32x1xf32> to vector<32x32768xf32>
    %sub3A_6 = arith.subf %get3A_1, %sub3A : vector<32x32768xf32>
    %exp3A = math.exp %sub3A_6 : vector<32x32768xf32>
    %reduce_sum3A = arith.constant dense<0.000000e+00> : vector<32xf32>
    %reduce_sum3A_7 = vector.multi_reduction <add>, %exp3A, %reduce_sum3A [1] : vector<32x32768xf32> to vector<32xf32>
    %broadcast_in_dim3A_8 = vector.shape_cast %reduce_sum3A_7 : vector<32xf32> to vector<32x1xf32>
    %log3A = math.log %broadcast_in_dim3A_8 : vector<32x1xf32>
    %add3A = arith.addf %broadcast_in_dim3A, %log3A : vector<32x1xf32>
    %sub3A_9 = vector.broadcast %add3A : vector<32x1xf32> to vector<32x32768xf32>
    %sub3A_10 = arith.subf %get3A_1, %sub3A_9 : vector<32x32768xf32>
    %swap3A = arith.constant 0 : index
    %swap3A_11 = arith.constant 0 : index
    %swap3A_12 = vector.load %arg2[%swap3A, %swap3A_11] : memref<32x32768xf32, #tpu.memory_space<vmem>>, vector<32x32768xf32>
    tpu.vector_store %arg2[%swap3A, %swap3A_11], %sub3A_10 {strides = array<i32>} : memref<32x32768xf32, #tpu.memory_space<vmem>>, vector<32x32768xf32>,
    %broadcast_in_dim3A_13 = vector.shape_cast %broadcast_in_dim3A : vector<32x1xf32> to vector<32x1xf32>
    %broadcast_in_dim3A_14 = vector.broadcast %broadcast_in_dim3A_13 : vector<32x1xf32> to vector<32x128xf32>
    %swap3A_15 = arith.constant 0 : index
    %swap3A_16 = arith.constant 0 : index
    %swap3A_17 = vector.load %arg3[%swap3A_15, %swap3A_16] : memref<32x128xf32, #tpu.memory_space<vmem>>, vector<32x128xf32>
    tpu.vector_store %arg3[%swap3A_15, %swap3A_16], %broadcast_in_dim3A_14 {strides = array<i32>} : memref<32x128xf32, #tpu.memory_space<vmem>>, vector<32x128xf32>,
    %broadcast_in_dim3A_18 = vector.shape_cast %reduce_min3A_5 : vector<32xi32> to vector<32x1xi32>
    %broadcast_in_dim3A_19 = vector.shape_cast %broadcast_in_dim3A_18 : vector<32x1xi32> to vector<32x1xi32>
    %broadcast_in_dim3A_20 = vector.broadcast %broadcast_in_dim3A_19 : vector<32x1xi32> to vector<32x128xi32>
    %swap3A_21 = arith.constant 0 : index
    %swap3A_22 = arith.constant 0 : index
    %swap3A_23 = vector.load %arg4[%swap3A_21, %swap3A_22] : memref<32x128xi32, #tpu.memory_space<vmem>>, vector<32x128xi32>
    tpu.vector_store %arg4[%swap3A_21, %swap3A_22], %broadcast_in_dim3A_20 {strides = array<i32>} : memref<32x128xi32, #tpu.memory_space<vmem>>, vector<32x128xi32>,
    return
  }
  func.func @transform_0(%arg0: i32) -> (i32, i32) {
    %c0_i32 = arith.constant 0 : i32
    %c0_i32_0 = arith.constant 0 : i32
    return %arg0, %c0_i32 : i32, i32
  }
  func.func @transform_1(%arg0: i32) -> (i32, i32) {
    %c0_i32 = arith.constant 0 : i32
    %c0_i32_0 = arith.constant 0 : i32
    return %arg0, %c0_i32 : i32, i32
  }
  func.func @transform_2(%arg0: i32) -> (i32, i32) {
    %c0_i32 = arith.constant 0 : i32
    %c0_i32_0 = arith.constant 0 : i32
    return %arg0, %c0_i32 : i32, i32
  }
  func.func @transform_3(%arg0: i32) -> (i32, i32) {
    %c0_i32 = arith.constant 0 : i32
    %c0_i32_0 = arith.constant 0 : i32
    return %arg0, %c0_i32 : i32, i32
  }
}

</mosaic_0001>

<sc_bundles>
// kernel: kernel.4.cloned.1.call-start
scs
__scs_entry_jumppad:
0x0: {  	(pc) =	sbr.rel $0x88, $3  }
0x1: {  	(tag) =	ssettag $0x0;
	lr =	simm.s32 $0x1  }
0x2: {  	[smem:$0x3F9F] =	sst lr;
	_ =	strace $0xD0000000  }
0x3: {  	_ = 	snop  }
0x4: {  	_ = 	snop  }
0x5: {  	_ = 	snop  }
0x6: {  	_ = 	snop  }
0x7: {  	_ = 	snop  }
__scs_overlays_trampoline_lowered:
0x8: {  	[smem:$0x3FAE] =	sst s0  }
0x9: {  	[smem:$0x3FAF] =	sst s1  }
0xa: {  	[smem:$0x3FB0] =	sst s2  }
0xb: {  	[smem:$0x3FB1] =	sst s3  }
0xc: {  	[smem:$0x3FB2] =	sst s4  }
0xd: {  	[smem:$0x3FB3] =	sst s5  }
0xe: {  	[smem:$0x3FB4] =	sst s6  }
0xf: {  	[smem:$0x3FB5] =	sst s7  }
0x10: {  	[smem:$0x3FB6] =	sst s8  }
0x11: {  	[smem:$0x3FB7] =	sst s9;
	s0 =	simm.s32 @!p0 $0x0  }
0x12: {  	s1 =	sld [smem:$0x3F9D];
	s0 =	simm.s32 @p0 $0x1  }
0x13: {  	[smem:$0x3FB8] =	sst s0;
	s0 =	simm.s32 @!p1 $0x0  }
0x14: {  	s2 =	sld [smem:$0x3F9C];
	s0 =	simm.s32 @p1 $0x1  }
0x15: {  	[smem:$0x3FB9] =	sst s0;
	s0 =	simm.s32 @!p2 $0x0  }
0x16: {  	s3 =	sld [smem:$0x3FDB];
	s0 =	simm.s32 @p2 $0x1  }
0x17: {  	s4 =	simm.s32 $0x1BF5;
	[smem:$0x3FBB] =	sst s0  }
0x18: {  	s0 =	sld [smem:$0x3F9E];
	_ =	swait.ge [sflag:s4], $0x0  }
0x19: {  	s7 =	sld [smem:$0x3F9F]  }
0x1a: {  	s8 =	sadd.s32 $0xFFFFE003, lr  }
0x1b: {  	s9 =	sadd.s32 $0xFFFFFEF7, lr;
	s5 =	simm.s32 $0xFFFFFFFF;
	p2 =	slt.u32 s8, $0xFFFFF086  }
0x1c: {  	p1 =	slt.u32 s9, $0xF7A;
	s5 =	simm.s32 @!p2 $0x0  }
0x1d: {  	s5 =	simm.s32 @p1 $0x1;
	p0 =	seq.s32 s7, s2  }
0x1e: {  	s7 =	smul.u32 @!p0 $0xF7A, s2;
	p2 =	seq.s32 @!p0 s5, $0x0  }
0x1f: {  	s9 =	smul.u32 $0xF7A, s1;
	s8 =	simm.s32 @!p0 $0x1BF5;
	p2 =	por !p2, p0  }
0x20: {  	[sflag:s8] =	ssyncset.s32 @!p0 $0xFFFFF086;
	s6 =	sadd.s32 @!p0 s3, s7;
	s7 =	simm.s32 @!p0 $0x108  }
0x21: {  	s3 =	sadd.s32 s3, s9;
	s6 =	sadd.s32 @!p0 $0x88, s6;
	s7 =	simm.s32 @p2 $0x1082  }
0x22: {  	[simem:s7], [sflag:s8] =	dma.local @!p0 [hbm:s6], $0xF7A  }
0x23: {  	s9 =	sor.u32 $0xD0000000, s2;
	s6 =	simm.s32 $0x108;
	_ =	swait.ge @!p0 [sflag:s8], $0x0  }
0x24: {  	s3 =	sadd.s32 $0x88, s3;
	s6 =	simm.s32 @!p1 $0x1082;
	[sflag:s4] =	ssyncset.s32 $0xFFFFF086  }
0x25: {  	[simem:s6], [sflag:s4] =	dma.local [hbm:s3], $0xF7A  }
0x26: {  	[smem:$0x3F9F] =	sst s1;
	(tag) =	ssettag s2;
	_ =	strace s9  }
0x27: {  	s1 =	sld [smem:$0x3FAF]  }
0x28: {  	s2 =	sld [smem:$0x3FB0]  }
0x29: {  	s4 =	sld [smem:$0x3FB2]  }
0x2a: {  	p0 =	seq.s32 s5, $0x0;
	s5 =	sld [smem:$0x3FB3]  }
0x2b: {  	s6 =	sld [smem:$0x3FB4]  }
0x2c: {  	s7 =	sld [smem:$0x3FB5]  }
0x2d: {  	s3 =	simm.s32 $0x108;
	s8 =	sld [smem:$0x3FB6]  }
0x2e: {  	s3 =	simm.s32 @!p0 $0x1082;
	s9 =	sld [smem:$0x3FB7]  }
0x2f: {  	lr =	sadd.s32 s0, s3;
	s0 =	sld [smem:$0x3FAE]  }
0x30: {  	s3 =	sld [smem:$0x3FB1]  }
0x31: {  	[smem:$0x3FBA] =	sst s10  }
0x32: {  	s10 =	sld [smem:$0x3FB8];
	_ =	sdelay $0x3  }
0x33: {  	p0 =	seq.s32 s10, $0x1;
	s10 =	sld [smem:$0x3FBA];
	_ =	sdelay $0x3  }
0x34: {  	[smem:$0x3FBA] =	sst s10  }
0x35: {  	s10 =	sld [smem:$0x3FB9];
	_ =	sdelay $0x3  }
0x36: {  	p1 =	seq.s32 s10, $0x1;
	s10 =	sld [smem:$0x3FBA];
	_ =	sdelay $0x3  }
0x37: {  	[smem:$0x3FBA] =	sst s10  }
0x38: {  	s10 =	sld [smem:$0x3FBB]  }
0x39: {  	_ = 	snop;
	(pc) =	sbr.ind lr, $3  }
0x3a: {  	_ = 	snop  }
0x3b: {  	_ = 	snop  }
0x3c: {  	p2 =	seq.s32 s10, $0x1;
	s10 =	sld [smem:$0x3FBA]  }
0x3d: {  	_ =	shalt  }
0x3e: {  	_ =	shalt  }
0x3f: {  	_ =	shalt  }
0x40: {  	_ =	shalt  }
0x41: {  	_ =	shalt  }
0x42: {  	_ =	shalt  }
0x43: {  	_ =	shalt  }
0x44: {  	_ =	shalt  }
0x45: {  	_ =	shalt  }
0x46: {  	_ =	shalt  }
0x47: {  	_ =	shalt  }
0x48: {  	_ =	shalt  }
0x49: {  	_ =	shalt  }
0x4a: {  	_ =	shalt  }
0x4b: {  	_ =	shalt  }
0x4c: {  	_ =	shalt  }
0x4d: {  	_ =	shalt  }
0x4e: {  	_ =	shalt  }
0x4f: {  	_ =	shalt  }
0x50: {  	_ =	shalt  }
0x51: {  	_ =	shalt  }
0x52: {  	_ =	shalt  }
0x53: {  	_ =	shalt  }
0x54: {  	_ =	shalt  }
0x55: {  	_ =	shalt  }
0x56: {  	_ =	shalt  }
0x57: {  	_ =	shalt  }
0x58: {  	_ =	shalt  }
0x59: {  	_ =	shalt  }
0x5a: {  	_ =	shalt  }
0x5b: {  	_ =	shalt  }
0x5c: {  	_ =	shalt  }
0x5d: {  	_ =	shalt  }
0x5e: {  	_ =	shalt  }
0x5f: {  	_ =	shalt  }
0x60: {  	_ =	shalt  }
0x61: {  	_ =	shalt  }
0x62: {  	_ =	shalt  }
0x63: {  	_ =	shalt  }
0x64: {  	_ =	shalt  }
0x65: {  	_ =	shalt  }
0x66: {  	_ =	shalt  }
0x67: {  	_ =	shalt  }
0x68: {  	_ =	shalt  }
0x69: {  	_ =	shalt  }
0x6a: {  	_ =	shalt  }
0x6b: {  	_ =	shalt  }
0x6c: {  	_ =	shalt  }
0x6d: {  	_ =	shalt  }
0x6e: {  	_ =	shalt  }
0x6f: {  	_ =	shalt  }
0x70: {  	_ =	shalt  }
0x71: {  	_ =	shalt  }
0x72: {  	_ =	shalt  }
0x73: {  	_ =	shalt  }
0x74: {  	_ =	shalt  }
0x75: {  	_ =	shalt  }
0x76: {  	_ =	shalt  }
0x77: {  	_ =	shalt  }
0x78: {  	_ =	shalt  }
0x79: {  	_ =	shalt  }
0x7a: {  	_ =	shalt  }
0x7b: {  	_ =	shalt  }
0x7c: {  	_ =	shalt  }
0x7d: {  	_ =	shalt  }
0x7e: {  	_ =	shalt  }
0x7f: {  	_ =	shalt  }
0x80: {  	_ =	shalt  }
0x81: {  	_ =	shalt  }
0x82: {  	_ =	shalt  }
0x83: {  	_ =	shalt  }
0x84: {  	_ =	shalt  }
0x85: {  	_ =	shalt  }
0x86: {  	_ =	shalt  }
0x87: {  	_ =	shalt  }
.Lfunc_end0:
.L_simem_size_0:
called_computation_lowered:
.L_overlay_start_0:
0x88: {  	s0 =	sld [smem:$0x3FD9]  }
0x89: {  	s1 =	sld [smem:$0x3FFE];
	_ =	sdelay $0x3  }
0x8a: {  	s0 =	sadd.s32 s1, s0  }
0x8b: {  	[smem:$0x3FC6] =	sst s0  }
0x8c: {  	_ = 	snop  }
0x8d: {  	s0 =	sld [smem:$0x3FD0];
	_ =	sdelay $0x2  }
0x8e: {  	s2 =	simm.s32 $0xA;
	s3 =	simm.s32 $0x10;
	s13 =	sld [smem:$0x3FC8]  }
0x8f: {  	[smem:s3], [sflag:s2] =	dma.local [hbm:s0], $0x1  }
0x90: {  	_ =	swait.eq [sflag:s2], $0x1  }
0x91: {  	[sflag:s2] =	ssyncset.done $0x0  }
0x92: {  	[sflag:s2] =	ssyncadd.s32 $0xFFFFFFFF  }
0x93: {  	s14 =	sld [smem:$0x12];
	(tm) =	ssettm $0x1  }
0x94: {  	s15 =	sld [smem:$0x3FFB];
	_ =	sdelay $0x3  }
0x95: {  	_ =	strace s15  }
0x96: {  	s2 =	sld [smem:$0x3FFC];
	_ =	sdelay $0x3  }
0x97: {  	_ =	strace s2  }
0x98: {  	s2 =	sld [smem:$0x3FFD];
	_ =	sdelay $0x3  }
0x99: {  	_ =	strace s2  }
0x9a: {  	_ =	strace $0x8FFFFFFF  }
0x9b: {  	s16 =	sld [smem:$0x3FDB];
	_ =	sdelay $0x1  }
0x9c: {  	s17 =	simm.s32 $_scs_section_size  }
0x9d: {  	s4 =	simm.s32 $_size__tile_overlayer_lowered;
	s5 =	simm.s32 $_tile_overlayer_lowered  }
0x9e: {  	s20 =	simm.s32 $0x1BFF;
	s19 =	sshll.u32 s5, $0x1;
	s2 =	sadd.s32 s17, s16  }
0x9f: {  	s6 =	simm.s32 $0x0;
	s18 =	sshll.u32 s4, $0x1;
	s4 =	sadd.s32 s19, s2  }
0xa0: {  	[timem:s6], [sflag:s20] =	dma.local [hbm:s4], s18  }
0xa1: {  	_ =	swait.ge [sflag:s20], s18  }
0xa2: {  	s3 =	ssub.s32 $0x0, s18;
	[sflag:s20] =	ssyncset.done $0x0  }
0xa3: {  	[sflag:s20] =	ssyncadd.s32 s3;
	_ =	sdelay $0x1  }
0xa4: {  	s21 =	simm.s32 $0x1B8B  }
0xa5: {  	_ =	swait.ge [sflag:s21], $0x1  }
0xa6: {  	[sflag:s21] =	ssyncset.done $0x0  }
0xa7: {  	s23 =	simm.s32 $0x1B8E;
	s22 =	sld [smem:$0x3FFE];
	[sflag:s21] =	ssyncadd.s32 $0xFFFFFFFF  }
0xa8: {  	s24 =	simm.s32 $execute0_lowered;
	[smem:$0x3FD2] =	sst s23  }
0xa9: {  	s4 =	sshll.u32 s24, $0x1;
	_ =	strace $0x80000046;
	[dreg:$0x1] =	wrdreg $0xFFFFFFFF  }
0xaa: {  	s25 =	simm.s32 $_size_execute0_lowered;
	s2 =	sadd.s32 s2, s4;
	[dreg:$0x0] =	wrdreg $0x0  }
0xab: {  	s4 =	sshll.u32 s25, $0x1;
	[dreg:$0x2] =	wrdreg s2  }
0xac: {  	[dreg:$0x3] =	wrdreg s4  }
0xad: {  	[dreg:$0x4] =	wrdreg $0xC0  }
0xae: {  	_ =	task [dreg:s6], $0x5FFFF  }
0xaf: {  	[dreg:$0x1] =	wrdreg $0xFFFFFFFF  }
0xb0: {  	[dreg:$0x0] =	wrdreg $0x60  }
0xb1: {  	[dreg:$0x2] =	wrdreg s13  }
0xb2: {  	[dreg:$0x3] =	wrdreg s22  }
0xb3: {  	[dreg:$0x4] =	wrdreg s14  }
0xb4: {  	[dreg:$0x5] =	wrdreg $0x9  }
0xb5: {  	_ =	task.clear_ibuf [dreg:s6], $0x6FFFF;
	_ =	strace $0x90000046  }
0xb6: {  	s26 =	simm.s32 $0x9;
	_ =	strace $0x80000048  }
0xb7: {  	_ =	swait.ge [sflag:s26], $0x1  }
0xb8: {  	[sflag:s26] =	ssyncadd.s32 $0xFFFFFFFF  }
0xb9: {  	_ =	strace $0x90000048  }
0xba: {  	_ =	sfence  }
0xbb: {  	s28 =	sld [smem:$0x0];
	_ =	sdelay $0x1  }
0xbc: {  	s29 =	srdreg.scid  }
0xbd: {  	s30 =	sshll.u32 s29, $0xD;
	s31 =	sshrl.u32 s29, $0x2  }
0xbe: {  	s1 =	sand.u32 $0x1, s29;
	s2 =	sand.u32 $0x4000, s30;
	s0 =	sadd.s32 s31, s28  }
0xbf: {  	s1 =	sor.u32 s2, s1;
	s0 =	sshll.u32 s0, $0x11  }
0xc0: {  	s0 =	sor.u32 s0, s1  }
0xc1: {  	s0 =	sadd.s32 $0x8F2B, s0  }
0xc2: {  	[sflag:s0] =	ssyncadd.remote.s32 $0x1  }
0xc3: {  	_ =	sfence.sel $0xFFFF  }
0xc4: {  	[dreg:$0x0] =	wrdreg $0xFFFFFFFF;
	(pc) =	sbr.abs _section_cstart, $3  }
0xc5: {  	[dreg:$0x1] =	wrdreg $0xFFFFFFFF  }
0xc6: {  	_ =	task.clear_ibuf [dreg:s6], $0x2FFFF;
	_ =	strace $0x9FFFFFFF  }
0xc7: {  	(tm) =	ssettm $0x7FFFFFFF  }
tec
execute0_lowered:
.L_overlay_start_1:
0x0: {  	(tag) =	ssettag $0x1  }
0x1: {  	s6 =	rddreg [dreg:$0x0]  }
0x2: {  	s3 =	rddreg [dreg:$0x1];
	s1 =	stileid.u32  }
0x3: {  	s5 =	rddreg [dreg:$0x2];
	s2 =	simm.s32 $0x0;
	s4 =	sshll.u32 s1, $0x7  }
0x4: {  	[smem:$0x7FF] =	sst s2;
	s4 =	sadd.s32 s4, s3  }
0x5: {  	s0 =	rddreg [dreg:$0x3];
	_ =	strace $0x80000047;
	s3 =	sadd.s32 $0x1800, s4  }
0x6: {  	[tilespmem:s2], [sflag:$0x2] =	stream.linear.gather [hbm4b:s3+s2], $0x400, $0x38;
	[tilespmem:$0x4C80] =	vst v63  }
0x7: {  	v0 =	vlaneseq.u32;
	s3 =	simm.s32 $0x2  }
0x8: {  	v1 =	vand.u32 $0x7, v0;
	_ =	swait.ge [sflag:s3], $0x400  }
0x9: {  	v1 =	vmul.u32 $0x80, v1;
	[sflag:s3] =	ssyncset.done $0x0  }
0xa: {  	s7 =	simm.s32 $0x400;
	s8 =	sadd.s32 $0x1000, s4;
	[sflag:s3] =	ssyncadd.s32 $0xFFFFFC00  }
0xb: {  	[tilespmem:s7], [sflag:$0x2] =	stream.linear.gather [hbm4b:s8+s2], $0x400, $0x38;
	[tilespmem:$0x4C80] =	vst v63  }
0xc: {  	_ =	swait.ge [sflag:s3], $0x400  }
0xd: {  	[sflag:s3] =	ssyncset.done $0x0  }
0xe: {  	[sflag:s3] =	ssyncadd.s32 $0xFFFFFC00  }
0xf: {  	v2 =	vld.idx.msk [tilespmem:v1+s2+$0x0], $0xffff  }
0x10: {  	v1 =	vld.idx.msk [tilespmem:v1+s7+$0x0], $0xffff;
	_ =	sdelay $0x4  }
0x11: {  	s9 =	simm.s32 $0x800;
	s10 =	sshll.u32 s1, $0x16;
	s5 =	sadd.s32 s5, s1;
	v3 =	vshrl.u32 v2, $0x7;
	[tilespmem:$0x800] =	vst v1  }
0x12: {  	[hbm4b:s5+s2] =	stream.linear.scatter [tilespmem:s9], [sflag:$0x2], $0x8, $0x38;
	v51 =	vshll.u32 v3, $0xA;
	[tilespmem:$0x4C80] =	vst v63  }
0x13: {  	_ =	swait.ge [sflag:s3], $0x8;
	v1 =	vadd.s32 s10, v51  }
0x14: {  	(v2sf) =	vpush v1, $0x0  }
0x15: {  	(v2sf) =	vpush v1, $0x2  }
0x16: {  	(v2sf) =	vpush v1, $0x1;
	_ =	sdelay $0x3  }
0x17: {  	(v2sf) =	vpush v1, $0x4;
	_ =	sdelay $0x1  }
0x18: {  	(v2sf) =	vpush v1, $0x3;
	_ =	sdelay $0x6  }
0x19: {  	s13 =	simm.s32 $0x40000;
	s14 =	simm.s32 $0x880;
	s11 =	spop (v2sf)  }
0x1a: {  	[sflag:s3] =	ssyncset.done $0x0;
	s5 =	sshrl.u32 s11, $0x3;
	s15 =	spop (v2sf)  }
0x1b: {  	[sflag:s3] =	ssyncadd.s32 $0xFFFFFFF8;
	(v2sf) =	vpush v1, $0x6;
	s12 =	sadd.s32 s6, s5;
	s10 =	spop (v2sf)  }
0x1c: {  	(v2sf) =	vpush v1, $0x5;
	[tilespmem:s14], [sflag:$0x1] =	stream.strided.gather [hbm4b:s12+s7], $0x800, s13, s7, $0x38;
	[tilespmem:$0x4C80] =	vst v63  }
0x1d: {  	s10 =	sadd.s32 $0x80000, s10  }
0x1e: {  	s11 =	simm.s32 $0x1080;
	s8 =	sadd.s32 $0x100000, s15;
	s10 =	sshrl.u32 s10, $0x3  }
0x1f: {  	s8 =	sshrl.u32 s8, $0x3;
	s16 =	spop (v2sf);
	s10 =	sadd.s32 s6, s10  }
0x20: {  	[tilespmem:s11], [sflag:$0x1] =	stream.strided.gather [hbm4b:s10+s7], $0x800, s13, s7, $0x38;
	[tilespmem:$0x4C80] =	vst v63  }
0x21: {  	s17 =	simm.s32 $0x1880;
	s8 =	sadd.s32 s6, s8;
	s18 =	spop (v2sf)  }
0x22: {  	(v2sf) =	vpush v1, $0x7;
	[tilespmem:s17], [sflag:$0x1] =	stream.strided.gather [hbm4b:s8+s7], $0x800, s13, s7, $0x38;
	[tilespmem:$0x4C80] =	vst v63  }
0x23: {  	s8 =	sadd.s32 $0x180000, s18  }
0x24: {  	s8 =	sshrl.u32 s8, $0x3  }
0x25: {  	s19 =	simm.s32 $0x2080;
	s20 =	sadd.s32 $0x200000, s16;
	s8 =	sadd.s32 s6, s8  }
0x26: {  	[tilespmem:s19], [sflag:$0x1] =	stream.strided.gather [hbm4b:s8+s7], $0x800, s13, s7, $0x38;
	[tilespmem:$0x4C80] =	vst v63  }
0x27: {  	s8 =	sshrl.u32 s20, $0x3  }
0x28: {  	s22 =	simm.s32 $0x2880;
	s8 =	sadd.s32 s6, s8  }
0x29: {  	[tilespmem:s22], [sflag:$0x1] =	stream.strided.gather [hbm4b:s8+s7], $0x800, s13, s7, $0x38;
	[tilespmem:$0x4C80] =	vst v63  }
0x2a: {  	s21 =	spop (v2sf)  }
0x2b: {  	s23 =	spop (v2sf)  }
0x2c: {  	s8 =	sadd.s32 $0x280000, s23  }
0x2d: {  	s8 =	sshrl.u32 s8, $0x3  }
0x2e: {  	s24 =	simm.s32 $0x3080;
	s25 =	sadd.s32 $0x300000, s21;
	s8 =	sadd.s32 s6, s8  }
0x2f: {  	[tilespmem:s24], [sflag:$0x1] =	stream.strided.gather [hbm4b:s8+s7], $0x800, s13, s7, $0x38;
	[tilespmem:$0x4C80] =	vst v63  }
0x30: {  	s8 =	sshrl.u32 s25, $0x3  }
0x31: {  	s26 =	simm.s32 $0x3880;
	s28 =	spop (v2sf);
	s8 =	sadd.s32 s6, s8  }
0x32: {  	[tilespmem:s26], [sflag:$0x1] =	stream.strided.gather [hbm4b:s8+s7], $0x800, s13, s7, $0x38;
	[tilespmem:$0x4C80] =	vst v63  }
0x33: {  	s8 =	sadd.s32 $0x380000, s28  }
0x34: {  	s8 =	sshrl.u32 s8, $0x3  }
0x35: {  	s29 =	simm.s32 $0x4080;
	s30 =	simm.s32 $0x1;
	s6 =	sadd.s32 s6, s8  }
0x36: {  	[tilespmem:s29], [sflag:$0x1] =	stream.strided.gather [hbm4b:s6+s7], $0x800, s13, s7, $0x38;
	[tilespmem:$0x4C80] =	vst v63  }
0x37: {  	_ =	swait.ge [sflag:s30], $0x800  }
0x38: {  	[sflag:s30] =	ssyncset.done $0x0  }
0x39: {  	[sflag:s30] =	ssyncadd.s32 $0xFFFFF800  }
0x3a: {  	_ =	swait.ge [sflag:s30], $0x800  }
0x3b: {  	[sflag:s30] =	ssyncset.done $0x0  }
0x3c: {  	[sflag:s30] =	ssyncadd.s32 $0xFFFFF800  }
0x3d: {  	_ =	swait.ge [sflag:s30], $0x800  }
0x3e: {  	[sflag:s30] =	ssyncset.done $0x0  }
0x3f: {  	[sflag:s30] =	ssyncadd.s32 $0xFFFFF800  }
0x40: {  	_ =	swait.ge [sflag:s30], $0x800  }
0x41: {  	[sflag:s30] =	ssyncset.done $0x0  }
0x42: {  	[sflag:s30] =	ssyncadd.s32 $0xFFFFF800  }
0x43: {  	_ =	swait.ge [sflag:s30], $0x800  }
0x44: {  	[sflag:s30] =	ssyncset.done $0x0  }
0x45: {  	[sflag:s30] =	ssyncadd.s32 $0xFFFFF800  }
0x46: {  	_ =	swait.ge [sflag:s30], $0x800  }
0x47: {  	v52 =	vand.u32 $0x7F, v2;
	[sflag:s30] =	ssyncset.done $0x0  }
0x48: {  	v0 =	vmul.u32 $0x80, v0;
	v2 =	vbroadcast v52, $0x0;
	[sflag:s30] =	ssyncadd.s32 $0xFFFFF800  }
0x49: {  	_ =	swait.ge [sflag:s30], $0x800  }
0x4a: {  	v2 =	vor.u32 v0, v2;
	[sflag:s30] =	ssyncset.done $0x0  }
0x4b: {  	[sflag:s30] =	ssyncadd.s32 $0xFFFFF800  }
0x4c: {  	_ =	swait.ge [sflag:s30], $0x800  }
0x4d: {  	[sflag:s30] =	ssyncset.done $0x0  }
0x4e: {  	v53 =	vbroadcast v52, $0x1;
	[sflag:s30] =	ssyncadd.s32 $0xFFFFF800  }
0x4f: {  	v4 =	vor.u32 $0x800, v0;
	v2 =	vld.idx.msk [tilespmem:v2+s14+$0x0], $0xffff  }
0x50: {  	v3 =	vor.u32 v4, v53;
	_ =	sdelay $0x3  }
0x51: {  	v54 =	vbroadcast v52, $0x2;
	[tilespmem:$0x4880] =	vst v2  }
0x52: {  	v55 =	vor.u32 $0x1000, v0;
	v3 =	vld.idx.msk [tilespmem:v3+s14+$0x0], $0xffff  }
0x53: {  	v2 =	vor.u32 v55, v54;
	_ =	sdelay $0x3  }
0x54: {  	v56 =	vbroadcast v52, $0x3;
	[tilespmem:$0x4900] =	vst v3  }
0x55: {  	v57 =	vor.u32 $0x1800, v0;
	v2 =	vld.idx.msk [tilespmem:v2+s14+$0x0], $0xffff  }
0x56: {  	v3 =	vor.u32 v57, v56;
	_ =	sdelay $0x3  }
0x57: {  	v58 =	vbroadcast v52, $0x4;
	[tilespmem:$0x4980] =	vst v2  }
0x58: {  	v59 =	vor.u32 $0x2000, v0;
	v3 =	vld.idx.msk [tilespmem:v3+s14+$0x0], $0xffff  }
0x59: {  	v2 =	vor.u32 v59, v58;
	_ =	sdelay $0x3  }
0x5a: {  	v60 =	vbroadcast v52, $0x5;
	[tilespmem:$0x4A00] =	vst v3  }
0x5b: {  	v61 =	vor.u32 $0x2800, v0;
	v2 =	vld.idx.msk [tilespmem:v2+s14+$0x0], $0xffff  }
0x5c: {  	v3 =	vor.u32 v61, v60;
	_ =	sdelay $0x3  }
0x5d: {  	v62 =	vbroadcast v52, $0x6;
	[tilespmem:$0x4A80] =	vst v2  }
0x5e: {  	v63 =	vor.u32 $0x3000, v0;
	v3 =	vld.idx.msk [tilespmem:v3+s14+$0x0], $0xffff  }
0x5f: {  	v2 =	vor.u32 v63, v62;
	_ =	sdelay $0x3  }
0x60: {  	v1 =	vbroadcast v52, $0x7;
	[tilespmem:$0x4B00] =	vst v3  }
0x61: {  	v0 =	vor.u32 $0x3800, v0;
	v2 =	vld.idx.msk [tilespmem:v2+s14+$0x0], $0xffff  }
0x62: {  	v0 =	vor.u32 v0, v1;
	_ =	sdelay $0x3  }
0x63: {  	[tilespmem:$0x4B80] =	vst v2  }
0x64: {  	v0 =	vld.idx.msk [tilespmem:v0+s14+$0x0], $0xffff;
	_ =	sdelay $0x4  }
0x65: {  	s31 =	simm.s32 $0x4880;
	s4 =	sadd.s32 $0x2000, s4;
	[tilespmem:$0x4C00] =	vst v0  }
0x66: {  	[hbm4b:s4+s2] =	stream.linear.scatter [tilespmem:s31], [sflag:$0x2], $0x400, $0x38;
	[tilespmem:$0x4C80] =	vst v63  }
0x67: {  	_ =	swait.ge [sflag:s3], $0x400  }
0x68: {  	[sflag:s3] =	ssyncset.done $0x0  }
0x69: {  	[sflag:s3] =	ssyncadd.s32 $0xFFFFFC00  }
0x6a: {  	_ =	sfence.sel $0x180000  }
0x6b: {  	[bflag:$0x0] =	sbarrier.arrive $0xFFFF  }
0x6c: {  	p0 =	sne.s32 s1, $0x0;
	_ =	strace $0x90000047  }
0x6d: {  	s0 =	sadd.s32 @!p0 $0x100000, s0;
	[bflag:$0x2] =	sbarrier.arrive $0xFFFF  }
0x6e: {  	[sflag:s0] =	ssyncadd.tile.s32 @!p0 $0x1;
	_ =	shalt  }
.Lfunc_end2:
_tile_overlayer_lowered:
.L_overlay_start_2:
0x6f: {  	(tag) =	ssettag $0x2  }
0x70: {  	s0 =	rddreg [dreg:$0x0];
	s2 =	stileid.u32  }
0x71: {  	s1 =	rddreg [dreg:$0x1];
	p0 =	sne.s32 s2, $0x0  }
0x72: {  	s3 =	rddreg [dreg:$0x2];
	[bflag:$0x3] =	sbarrier.arrive $0xFFFF;
	s2 =	simm.s32 @!p0 $0x1C02  }
0x73: {  	[timem:s3], [sflag:s2] =	dma.local @!p0 [hbm:s0], s1  }
0x74: {  	s0 =	simm.s32 @!p0 $0x2  }
0x75: {  	_ =	swait.ge @!p0 [sflag:s0], s1  }
0x76: {  	s1 =	ssub.s32 @!p0 $0x0, s1;
	[sflag:s0] =	ssyncset.done @!p0 $0x0  }
0x77: {  	[sflag:s0] =	ssyncadd.s32 @!p0 s1  }
0x78: {  	[bflag:$0x3] =	sbarrier.arrive $0xFFFF  }
0x79: {  	_ =	shalt  }

</sc_bundles>
